<compile_context>
chip_gen: v7x
topology: tpu7x:2x2x1
jax: 0.10.2.dev20260603
libtpu: 0.0.44.dev20260713+nightly
codegen_flags: <defaults>
</compile_context>

<pallas_src>
import functools
import jax
import jax.numpy as jnp
from jax import lax
from jax.experimental import pallas as pl
from jax.experimental.pallas import tpu as pltpu
from jax.experimental.pallas import tpu_sc as plsc

D = 64
NC, NS, L = 2, 16, 16
NW = NC * NS
SCALE = 8.0
NBUF = 2


def _make_kernel(BATCH, SEQ):
    p_per_w = BATCH // NW
    n_steps = p_per_w
    assert n_steps % NBUF == 0
    n_rounds = n_steps // NBUF
    mesh = plsc.VectorSubcoreMesh(
        core_axis_name="c", subcore_axis_name="s",
        num_cores=NC, num_subcores=NS,
    )

    scratch = dict(
        ibuf=[pltpu.VMEM((SEQ,), jnp.int32) for _ in range(NBUF)],
        gbuf=[pltpu.VMEM((SEQ, 2 * D), jnp.float32) for _ in range(NBUF)],
        sbuf=[pltpu.VMEM((SEQ, D), jnp.float32) for _ in range(NBUF)],
        isem=[pltpu.SemaphoreType.DMA for _ in range(NBUF)],
        gsem=[pltpu.SemaphoreType.DMA for _ in range(NBUF)],
        ssem=[pltpu.SemaphoreType.DMA for _ in range(NBUF)],
    )

    @functools.partial(
        pl.kernel,
        mesh=mesh,
        compiler_params=pltpu.CompilerParams(use_tc_tiling_on_sc=True),
        out_type=jax.ShapeDtypeStruct((BATCH, SEQ, D), jnp.float32),
        scratch_types=scratch,
    )
    def k(x_hbm, table_hbm, out_hbm, ibuf, gbuf, sbuf, isem, gsem, ssem):
        wid = lax.axis_index("s") * NC + lax.axis_index("c")
        pbase = wid * p_per_w

        def issue_idx(c, b):
            pltpu.async_copy(x_hbm.at[pbase + c], ibuf[b], isem[b])

        def wait_idx(b):
            pltpu.make_async_copy(x_hbm.at[0], ibuf[b], isem[b]).wait()

        def issue_gather(b):
            pltpu.async_copy(table_hbm.at[ibuf[b]], gbuf[b], gsem[b])

        def wait_gather(b):
            pltpu.make_async_copy(table_hbm.at[ibuf[b]], gbuf[b],
                                  gsem[b]).wait()

        def issue_store(c, b):
            pltpu.async_copy(sbuf[b], out_hbm.at[pbase + c], ssem[b])

        def wait_store(b):
            pltpu.make_async_copy(sbuf[b], out_hbm.at[0], ssem[b]).wait()

        def scale(b):
            @plsc.parallel_loop(0, SEQ, unroll=8)
            def row_body(s):
                for j in range(D // L):
                    sl = pl.ds(j * L, L)
                    sbuf[b][s, sl] = gbuf[b][s, sl] * SCALE

        for b in range(NBUF):
            issue_idx(b, b)
        for b in range(NBUF):
            wait_idx(b)
            issue_gather(b)

        for b in range(NBUF):
            wait_gather(b)
            issue_idx(NBUF + b, b)
            scale(b)
            issue_store(b, b)
            wait_idx(b)
            issue_gather(b)

        def round_body(r, carry):
            c0 = r * NBUF
            for b in range(NBUF):
                c = c0 + b
                wait_gather(b)
                issue_idx(c + NBUF, b)
                wait_store(b)
                scale(b)
                issue_store(c, b)
                wait_idx(b)
                issue_gather(b)
            return carry
        lax.fori_loop(1, n_rounds - 1, round_body, 0)

        for b in range(NBUF):
            wait_gather(b)
            wait_store(b)
            scale(b)
            issue_store((n_rounds - 1) * NBUF + b, b)
        for b in range(NBUF):
            wait_store(b)

    return k


def kernel(x, table):
    BATCH, SEQ = x.shape
    table2 = jnp.pad(table, ((0, 0), (0, D)))
    return _make_kernel(BATCH, SEQ)(x.astype(jnp.int32), table2)

# --- scband reference (transcript-rebuilt; emitter-appended) ---
"""Pipeline reference for scband-embeddings-49185965474207 (READ-ONLY COPY).

The authoritative reference and input builder live on the scoring server;
editing this copy changes nothing except your own understanding.
"""

import math
import jax, jax.numpy as jnp
import numpy as np

VOCAB = 1000000
D_MODEL = 64

def setup_inputs(seed: int = 0) -> dict:
    key = jax.random.key(seed)
    k1, k2 = jax.random.split(key)
    x = jax.random.randint(k1, (4096, 200), 0, VOCAB, dtype=jnp.int64 if jax.config.jax_enable_x64 else jnp.int32)
    table = jax.random.normal(k2, (VOCAB, D_MODEL), dtype=jnp.float32)
    return {"x": x, "table": table}

def reference(x, table):
    # Embeddings.forward: embedding lookup scaled by sqrt(d_model)
    emb = jnp.take(table, x, axis=0)
    return emb * math.sqrt(D_MODEL)

if __name__ == "__main__":
    import jax
    _d = setup_inputs()
    print(jax.jit(kernel)(*tuple(_d.values())))

</pallas_src>

<mosaic_0001>
#map = affine_map<(d0, d1) -> (0, 0)>
#map1 = affine_map<(d0, d1) -> (0, 0, 0)>
module attributes {stable_mosaic.version = 14 : i64} {
  func.func @k(%arg0: i32, %arg1: i32, %arg2: memref<4096x200xi32, #tpu.memory_space<hbm>>, %arg3: memref<1000000x128xf32, #tpu.memory_space<hbm>>, %arg4: memref<4096x200x64xf32, #tpu.memory_space<hbm>>, %arg5: memref<200x128xf32, #tpu.memory_space<vmem>>, %arg6: memref<200x128xf32, #tpu.memory_space<vmem>>, %arg7: memref<!tpu.dma_semaphore, #tpu.memory_space<semaphore_mem>>, %arg8: memref<!tpu.dma_semaphore, #tpu.memory_space<semaphore_mem>>, %arg9: memref<200xi32, #tpu.memory_space<vmem>>, %arg10: memref<200xi32, #tpu.memory_space<vmem>>, %arg11: memref<!tpu.dma_semaphore, #tpu.memory_space<semaphore_mem>>, %arg12: memref<!tpu.dma_semaphore, #tpu.memory_space<semaphore_mem>>, %arg13: memref<200x64xf32, #tpu.memory_space<vmem>>, %arg14: memref<200x64xf32, #tpu.memory_space<vmem>>, %arg15: memref<!tpu.dma_semaphore, #tpu.memory_space<semaphore_mem>>, %arg16: memref<!tpu.dma_semaphore, #tpu.memory_space<semaphore_mem>>) attributes {dimension_semantics = [#tpu.dimension_semantics<core_parallel>, #tpu.dimension_semantics<subcore_parallel>], iteration_bounds = array<i64: 2, 16>, scalar_prefetch = 0 : i64, scratch_operands = 12 : i64, tpu.core_type = #tpu.core_type<sc_vector_subcore>, window_params = [{transform_indices = #map}, {transform_indices = #map}, {transform_indices = #map1}]} {
    %mul3A = arith.constant 2 : i32
    %mul3A_0 = arith.muli %arg1, %mul3A : i32
    %add3A = arith.addi %mul3A_0, %arg0 : i32
    %mul3A_1 = arith.constant 128 : i32
    %mul3A_2 = arith.muli %add3A, %mul3A_1 : i32
    %add3A_3 = arith.constant 0 : i32
    %add3A_4 = arith.addi %mul3A_2, %add3A_3 : i32
    %dma_start3A = arith.constant 0 : i32
    %dma_start3A_5 = tpu.memref_slice %arg2[%add3A_4, %dma_start3A] : memref<4096x200xi32, #tpu.memory_space<hbm>> -> memref<1x200xi32, #tpu.memory_space<hbm>>
    %dma_start3A_6 = tpu.memref_squeeze %dma_start3A_5 : memref<1x200xi32, #tpu.memory_space<hbm>> -> memref<200xi32, #tpu.memory_space<hbm>>
    %dma_start3A_7 = arith.constant 0 : i32
    %dma_start3A_8 = tpu.memref_slice %arg2[%add3A_4, %dma_start3A_7] : memref<4096x200xi32, #tpu.memory_space<hbm>> -> memref<1x200xi32, #tpu.memory_space<hbm>>
    %dma_start3A_9 = tpu.memref_squeeze %dma_start3A_8 : memref<1x200xi32, #tpu.memory_space<hbm>> -> memref<200xi32, #tpu.memory_space<hbm>>
    tpu.enqueue_dma source(%dma_start3A_9 : memref<200xi32, #tpu.memory_space<hbm>>) target(%arg9 : memref<200xi32, #tpu.memory_space<vmem>>) target_semaphore(%arg11 : memref<!tpu.dma_semaphore, #tpu.memory_space<semaphore_mem>>)
    %add3A_10 = arith.constant 1 : i32
    %add3A_11 = arith.addi %mul3A_2, %add3A_10 : i32
    %dma_start3A_12 = arith.constant 0 : i32
    %dma_start3A_13 = tpu.memref_slice %arg2[%add3A_11, %dma_start3A_12] : memref<4096x200xi32, #tpu.memory_space<hbm>> -> memref<1x200xi32, #tpu.memory_space<hbm>>
    %dma_start3A_14 = tpu.memref_squeeze %dma_start3A_13 : memref<1x200xi32, #tpu.memory_space<hbm>> -> memref<200xi32, #tpu.memory_space<hbm>>
    %dma_start3A_15 = arith.constant 0 : i32
    %dma_start3A_16 = tpu.memref_slice %arg2[%add3A_11, %dma_start3A_15] : memref<4096x200xi32, #tpu.memory_space<hbm>> -> memref<1x200xi32, #tpu.memory_space<hbm>>
    %dma_start3A_17 = tpu.memref_squeeze %dma_start3A_16 : memref<1x200xi32, #tpu.memory_space<hbm>> -> memref<200xi32, #tpu.memory_space<hbm>>
    tpu.enqueue_dma source(%dma_start3A_17 : memref<200xi32, #tpu.memory_space<hbm>>) target(%arg10 : memref<200xi32, #tpu.memory_space<vmem>>) target_semaphore(%arg12 : memref<!tpu.dma_semaphore, #tpu.memory_space<semaphore_mem>>)
    %dma_wait3A = arith.constant 0 : i32
    %dma_wait3A_18 = arith.constant 0 : i32
    %dma_wait3A_19 = tpu.memref_slice %arg2[%dma_wait3A, %dma_wait3A_18] : memref<4096x200xi32, #tpu.memory_space<hbm>> -> memref<1x200xi32, #tpu.memory_space<hbm>>
    %dma_wait3A_20 = tpu.memref_squeeze %dma_wait3A_19 : memref<1x200xi32, #tpu.memory_space<hbm>> -> memref<200xi32, #tpu.memory_space<hbm>>
    %dma_wait3A_21 = arith.constant 0 : i32
    %dma_wait3A_22 = tpu.memref_slice %arg2[%dma_wait3A, %dma_wait3A_21] : memref<4096x200xi32, #tpu.memory_space<hbm>> -> memref<1x200xi32, #tpu.memory_space<hbm>>
    %dma_wait3A_23 = tpu.memref_squeeze %dma_wait3A_22 : memref<1x200xi32, #tpu.memory_space<hbm>> -> memref<200xi32, #tpu.memory_space<hbm>>
    tpu.wait_dma2 semaphore(%arg11 : memref<!tpu.dma_semaphore, #tpu.memory_space<semaphore_mem>>) src(%dma_wait3A_23 : memref<200xi32, #tpu.memory_space<hbm>>) dst(%arg9 : memref<200xi32, #tpu.memory_space<vmem>>)
    %dma_start3A_24 = arith.constant 0 : i32
    %dma_start3A_25 = arith.constant 0 : i32
    %dma_start3A_26 = tpu.memref_slice %arg3[%dma_start3A_24, %dma_start3A_25] : memref<1000000x128xf32, #tpu.memory_space<hbm>> -> memref<1000000x128xf32, #tpu.memory_space<hbm>>
    tpu.enqueue_indirect_dma source(%dma_start3A_26 : memref<1000000x128xf32, #tpu.memory_space<hbm>>) target(%arg5 : memref<200x128xf32, #tpu.memory_space<vmem>>) offsets(%arg9 : memref<200xi32, #tpu.memory_space<vmem>>) semaphore(%arg7 : memref<!tpu.dma_semaphore, #tpu.memory_space<semaphore_mem>>)
    %dma_wait3A_27 = arith.constant 0 : i32
    %dma_wait3A_28 = arith.constant 0 : i32
    %dma_wait3A_29 = tpu.memref_slice %arg2[%dma_wait3A_27, %dma_wait3A_28] : memref<4096x200xi32, #tpu.memory_space<hbm>> -> memref<1x200xi32, #tpu.memory_space<hbm>>
    %dma_wait3A_30 = tpu.memref_squeeze %dma_wait3A_29 : memref<1x200xi32, #tpu.memory_space<hbm>> -> memref<200xi32, #tpu.memory_space<hbm>>
    %dma_wait3A_31 = arith.constant 0 : i32
    %dma_wait3A_32 = tpu.memref_slice %arg2[%dma_wait3A_27, %dma_wait3A_31] : memref<4096x200xi32, #tpu.memory_space<hbm>> -> memref<1x200xi32, #tpu.memory_space<hbm>>
    %dma_wait3A_33 = tpu.memref_squeeze %dma_wait3A_32 : memref<1x200xi32, #tpu.memory_space<hbm>> -> memref<200xi32, #tpu.memory_space<hbm>>
    tpu.wait_dma2 semaphore(%arg12 : memref<!tpu.dma_semaphore, #tpu.memory_space<semaphore_mem>>) src(%dma_wait3A_33 : memref<200xi32, #tpu.memory_space<hbm>>) dst(%arg10 : memref<200xi32, #tpu.memory_space<vmem>>)
    %dma_start3A_34 = arith.constant 0 : i32
    %dma_start3A_35 = arith.constant 0 : i32
    %dma_start3A_36 = tpu.memref_slice %arg3[%dma_start3A_34, %dma_start3A_35] : memref<1000000x128xf32, #tpu.memory_space<hbm>> -> memref<1000000x128xf32, #tpu.memory_space<hbm>>
    tpu.enqueue_indirect_dma source(%dma_start3A_36 : memref<1000000x128xf32, #tpu.memory_space<hbm>>) target(%arg6 : memref<200x128xf32, #tpu.memory_space<vmem>>) offsets(%arg10 : memref<200xi32, #tpu.memory_space<vmem>>) semaphore(%arg8 : memref<!tpu.dma_semaphore, #tpu.memory_space<semaphore_mem>>)
    %dma_wait3A_37 = arith.constant 0 : i32
    %dma_wait3A_38 = arith.constant 0 : i32
    %dma_wait3A_39 = tpu.memref_slice %arg3[%dma_wait3A_37, %dma_wait3A_38] : memref<1000000x128xf32, #tpu.memory_space<hbm>> -> memref<1000000x128xf32, #tpu.memory_space<hbm>>
    tpu.wait_indirect_dma semaphore(%arg7 : memref<!tpu.dma_semaphore, #tpu.memory_space<semaphore_mem>>) src(%dma_wait3A_39 : memref<1000000x128xf32, #tpu.memory_space<hbm>>) dst(%arg5 : memref<200x128xf32, #tpu.memory_space<vmem>>)
    %add3A_40 = arith.constant 2 : i32
    %add3A_41 = arith.addi %mul3A_2, %add3A_40 : i32
    %dma_start3A_42 = arith.constant 0 : i32
    %dma_start3A_43 = tpu.memref_slice %arg2[%add3A_41, %dma_start3A_42] : memref<4096x200xi32, #tpu.memory_space<hbm>> -> memref<1x200xi32, #tpu.memory_space<hbm>>
    %dma_start3A_44 = tpu.memref_squeeze %dma_start3A_43 : memref<1x200xi32, #tpu.memory_space<hbm>> -> memref<200xi32, #tpu.memory_space<hbm>>
    %dma_start3A_45 = arith.constant 0 : i32
    %dma_start3A_46 = tpu.memref_slice %arg2[%add3A_41, %dma_start3A_45] : memref<4096x200xi32, #tpu.memory_space<hbm>> -> memref<1x200xi32, #tpu.memory_space<hbm>>
    %dma_start3A_47 = tpu.memref_squeeze %dma_start3A_46 : memref<1x200xi32, #tpu.memory_space<hbm>> -> memref<200xi32, #tpu.memory_space<hbm>>
    tpu.enqueue_dma source(%dma_start3A_47 : memref<200xi32, #tpu.memory_space<hbm>>) target(%arg9 : memref<200xi32, #tpu.memory_space<vmem>>) target_semaphore(%arg11 : memref<!tpu.dma_semaphore, #tpu.memory_space<semaphore_mem>>)
    %parallel_loop3A = arith.constant 0 : i32
    %parallel_loop3A_48 = arith.constant 200 : i32
    %parallel_loop3A_49 = arith.constant 1 : i32
    scf.for %parallel_loop3A_177 = %parallel_loop3A to %parallel_loop3A_48 step %parallel_loop3A_49  : i32 {
      %parallel_loop3A_178 = arith.index_cast %parallel_loop3A_177 : i32 to index
      %parallel_loop3A_179 = arith.constant 0 : index
      %parallel_loop3A_180 = tpu.vector_load %arg5[%parallel_loop3A_178, %parallel_loop3A_179] {strides = array<i32>} : memref<200x128xf32, #tpu.memory_space<vmem>>, vector<1x16xf32>,
      %parallel_loop3A_181 = vector.shape_cast %parallel_loop3A_180 : vector<1x16xf32> to vector<16xf32>
      %parallel_loop3A_182 = arith.constant 8.000000e+00 : f32
      %parallel_loop3A_183 = vector.broadcast %parallel_loop3A_182 : f32 to vector<16xf32>
      %parallel_loop3A_184 = arith.mulf %parallel_loop3A_181, %parallel_loop3A_183 : vector<16xf32>
      %parallel_loop3A_185 = arith.index_cast %parallel_loop3A_177 : i32 to index
      %parallel_loop3A_186 = arith.constant 0 : index
      %parallel_loop3A_187 = tpu.vector_load %arg13[%parallel_loop3A_185, %parallel_loop3A_186] {strides = array<i32>} : memref<200x64xf32, #tpu.memory_space<vmem>>, vector<1x16xf32>,
      %parallel_loop3A_188 = vector.shape_cast %parallel_loop3A_187 : vector<1x16xf32> to vector<16xf32>
      %parallel_loop3A_189 = vector.shape_cast %parallel_loop3A_184 : vector<16xf32> to vector<1x16xf32>
      tpu.vector_store %arg13[%parallel_loop3A_185, %parallel_loop3A_186], %parallel_loop3A_189 {strides = array<i32>} : memref<200x64xf32, #tpu.memory_space<vmem>>, vector<1x16xf32>,
      %parallel_loop3A_190 = arith.index_cast %parallel_loop3A_177 : i32 to index
      %parallel_loop3A_191 = arith.constant 16 : index
      %parallel_loop3A_192 = tpu.vector_load %arg5[%parallel_loop3A_190, %parallel_loop3A_191] {strides = array<i32>} : memref<200x128xf32, #tpu.memory_space<vmem>>, vector<1x16xf32>,
      %parallel_loop3A_193 = vector.shape_cast %parallel_loop3A_192 : vector<1x16xf32> to vector<16xf32>
      %parallel_loop3A_194 = arith.constant 8.000000e+00 : f32
      %parallel_loop3A_195 = vector.broadcast %parallel_loop3A_194 : f32 to vector<16xf32>
      %parallel_loop3A_196 = arith.mulf %parallel_loop3A_193, %parallel_loop3A_195 : vector<16xf32>
      %parallel_loop3A_197 = arith.index_cast %parallel_loop3A_177 : i32 to index
      %parallel_loop3A_198 = arith.constant 16 : index
      %parallel_loop3A_199 = tpu.vector_load %arg13[%parallel_loop3A_197, %parallel_loop3A_198] {strides = array<i32>} : memref<200x64xf32, #tpu.memory_space<vmem>>, vector<1x16xf32>,
      %parallel_loop3A_200 = vector.shape_cast %parallel_loop3A_199 : vector<1x16xf32> to vector<16xf32>
      %parallel_loop3A_201 = vector.shape_cast %parallel_loop3A_196 : vector<16xf32> to vector<1x16xf32>
      tpu.vector_store %arg13[%parallel_loop3A_197, %parallel_loop3A_198], %parallel_loop3A_201 {strides = array<i32>} : memref<200x64xf32, #tpu.memory_space<vmem>>, vector<1x16xf32>,
      %parallel_loop3A_202 = arith.index_cast %parallel_loop3A_177 : i32 to index
      %parallel_loop3A_203 = arith.constant 32 : index
      %parallel_loop3A_204 = tpu.vector_load %arg5[%parallel_loop3A_202, %parallel_loop3A_203] {strides = array<i32>} : memref<200x128xf32, #tpu.memory_space<vmem>>, vector<1x16xf32>,
      %parallel_loop3A_205 = vector.shape_cast %parallel_loop3A_204 : vector<1x16xf32> to vector<16xf32>
      %parallel_loop3A_206 = arith.constant 8.000000e+00 : f32
      %parallel_loop3A_207 = vector.broadcast %parallel_loop3A_206 : f32 to vector<16xf32>
      %parallel_loop3A_208 = arith.mulf %parallel_loop3A_205, %parallel_loop3A_207 : vector<16xf32>
      %parallel_loop3A_209 = arith.index_cast %parallel_loop3A_177 : i32 to index
      %parallel_loop3A_210 = arith.constant 32 : index
      %parallel_loop3A_211 = tpu.vector_load %arg13[%parallel_loop3A_209, %parallel_loop3A_210] {strides = array<i32>} : memref<200x64xf32, #tpu.memory_space<vmem>>, vector<1x16xf32>,
      %parallel_loop3A_212 = vector.shape_cast %parallel_loop3A_211 : vector<1x16xf32> to vector<16xf32>
      %parallel_loop3A_213 = vector.shape_cast %parallel_loop3A_208 : vector<16xf32> to vector<1x16xf32>
      tpu.vector_store %arg13[%parallel_loop3A_209, %parallel_loop3A_210], %parallel_loop3A_213 {strides = array<i32>} : memref<200x64xf32, #tpu.memory_space<vmem>>, vector<1x16xf32>,
      %parallel_loop3A_214 = arith.index_cast %parallel_loop3A_177 : i32 to index
      %parallel_loop3A_215 = arith.constant 48 : index
      %parallel_loop3A_216 = tpu.vector_load %arg5[%parallel_loop3A_214, %parallel_loop3A_215] {strides = array<i32>} : memref<200x128xf32, #tpu.memory_space<vmem>>, vector<1x16xf32>,
      %parallel_loop3A_217 = vector.shape_cast %parallel_loop3A_216 : vector<1x16xf32> to vector<16xf32>
      %parallel_loop3A_218 = arith.constant 8.000000e+00 : f32
      %parallel_loop3A_219 = vector.broadcast %parallel_loop3A_218 : f32 to vector<16xf32>
      %parallel_loop3A_220 = arith.mulf %parallel_loop3A_217, %parallel_loop3A_219 : vector<16xf32>
      %parallel_loop3A_221 = arith.index_cast %parallel_loop3A_177 : i32 to index
      %parallel_loop3A_222 = arith.constant 48 : index
      %parallel_loop3A_223 = tpu.vector_load %arg13[%parallel_loop3A_221, %parallel_loop3A_222] {strides = array<i32>} : memref<200x64xf32, #tpu.memory_space<vmem>>, vector<1x16xf32>,
      %parallel_loop3A_224 = vector.shape_cast %parallel_loop3A_223 : vector<1x16xf32> to vector<16xf32>
      %parallel_loop3A_225 = vector.shape_cast %parallel_loop3A_220 : vector<16xf32> to vector<1x16xf32>
      tpu.vector_store %arg13[%parallel_loop3A_221, %parallel_loop3A_222], %parallel_loop3A_225 {strides = array<i32>} : memref<200x64xf32, #tpu.memory_space<vmem>>, vector<1x16xf32>,
    } {sc.loop_unroll_factor = 8 : i64, sc.parallel_access}
    %add3A_50 = arith.constant 0 : i32
    %add3A_51 = arith.addi %mul3A_2, %add3A_50 : i32
    %dma_start3A_52 = arith.constant 0 : i32
    %dma_start3A_53 = arith.constant 0 : i32
    %dma_start3A_54 = tpu.memref_slice %arg4[%add3A_51, %dma_start3A_52, %dma_start3A_53] : memref<4096x200x64xf32, #tpu.memory_space<hbm>> -> memref<1x200x64xf32, #tpu.memory_space<hbm>>
    %dma_start3A_55 = tpu.memref_squeeze %dma_start3A_54 : memref<1x200x64xf32, #tpu.memory_space<hbm>> -> memref<200x64xf32, #tpu.memory_space<hbm>>
    %dma_start3A_56 = arith.constant 0 : i32
    %dma_start3A_57 = arith.constant 0 : i32
    %dma_start3A_58 = tpu.memref_slice %arg4[%add3A_51, %dma_start3A_56, %dma_start3A_57] : memref<4096x200x64xf32, #tpu.memory_space<hbm>> -> memref<1x200x64xf32, #tpu.memory_space<hbm>>
    %dma_start3A_59 = tpu.memref_squeeze %dma_start3A_58 : memref<1x200x64xf32, #tpu.memory_space<hbm>> -> memref<200x64xf32, #tpu.memory_space<hbm>>
    tpu.enqueue_dma source(%arg13 : memref<200x64xf32, #tpu.memory_space<vmem>>) target(%dma_start3A_59 : memref<200x64xf32, #tpu.memory_space<hbm>>) target_semaphore(%arg15 : memref<!tpu.dma_semaphore, #tpu.memory_space<semaphore_mem>>)
    %dma_wait3A_60 = arith.constant 0 : i32
    %dma_wait3A_61 = arith.constant 0 : i32
    %dma_wait3A_62 = tpu.memref_slice %arg2[%dma_wait3A_60, %dma_wait3A_61] : memref<4096x200xi32, #tpu.memory_space<hbm>> -> memref<1x200xi32, #tpu.memory_space<hbm>>
    %dma_wait3A_63 = tpu.memref_squeeze %dma_wait3A_62 : memref<1x200xi32, #tpu.memory_space<hbm>> -> memref<200xi32, #tpu.memory_space<hbm>>
    %dma_wait3A_64 = arith.constant 0 : i32
    %dma_wait3A_65 = tpu.memref_slice %arg2[%dma_wait3A_60, %dma_wait3A_64] : memref<4096x200xi32, #tpu.memory_space<hbm>> -> memref<1x200xi32, #tpu.memory_space<hbm>>
    %dma_wait3A_66 = tpu.memref_squeeze %dma_wait3A_65 : memref<1x200xi32, #tpu.memory_space<hbm>> -> memref<200xi32, #tpu.memory_space<hbm>>
    tpu.wait_dma2 semaphore(%arg11 : memref<!tpu.dma_semaphore, #tpu.memory_space<semaphore_mem>>) src(%dma_wait3A_66 : memref<200xi32, #tpu.memory_space<hbm>>) dst(%arg9 : memref<200xi32, #tpu.memory_space<vmem>>)
    %dma_start3A_67 = arith.constant 0 : i32
    %dma_start3A_68 = arith.constant 0 : i32
    %dma_start3A_69 = tpu.memref_slice %arg3[%dma_start3A_67, %dma_start3A_68] : memref<1000000x128xf32, #tpu.memory_space<hbm>> -> memref<1000000x128xf32, #tpu.memory_space<hbm>>
    tpu.enqueue_indirect_dma source(%dma_start3A_69 : memref<1000000x128xf32, #tpu.memory_space<hbm>>) target(%arg5 : memref<200x128xf32, #tpu.memory_space<vmem>>) offsets(%arg9 : memref<200xi32, #tpu.memory_space<vmem>>) semaphore(%arg7 : memref<!tpu.dma_semaphore, #tpu.memory_space<semaphore_mem>>)
    %dma_wait3A_70 = arith.constant 0 : i32
    %dma_wait3A_71 = arith.constant 0 : i32
    %dma_wait3A_72 = tpu.memref_slice %arg3[%dma_wait3A_70, %dma_wait3A_71] : memref<1000000x128xf32, #tpu.memory_space<hbm>> -> memref<1000000x128xf32, #tpu.memory_space<hbm>>
    tpu.wait_indirect_dma semaphore(%arg8 : memref<!tpu.dma_semaphore, #tpu.memory_space<semaphore_mem>>) src(%dma_wait3A_72 : memref<1000000x128xf32, #tpu.memory_space<hbm>>) dst(%arg6 : memref<200x128xf32, #tpu.memory_space<vmem>>)
    %add3A_73 = arith.constant 3 : i32
    %add3A_74 = arith.addi %mul3A_2, %add3A_73 : i32
    %dma_start3A_75 = arith.constant 0 : i32
    %dma_start3A_76 = tpu.memref_slice %arg2[%add3A_74, %dma_start3A_75] : memref<4096x200xi32, #tpu.memory_space<hbm>> -> memref<1x200xi32, #tpu.memory_space<hbm>>
    %dma_start3A_77 = tpu.memref_squeeze %dma_start3A_76 : memref<1x200xi32, #tpu.memory_space<hbm>> -> memref<200xi32, #tpu.memory_space<hbm>>
    %dma_start3A_78 = arith.constant 0 : i32
    %dma_start3A_79 = tpu.memref_slice %arg2[%add3A_74, %dma_start3A_78] : memref<4096x200xi32, #tpu.memory_space<hbm>> -> memref<1x200xi32, #tpu.memory_space<hbm>>
    %dma_start3A_80 = tpu.memref_squeeze %dma_start3A_79 : memref<1x200xi32, #tpu.memory_space<hbm>> -> memref<200xi32, #tpu.memory_space<hbm>>
    tpu.enqueue_dma source(%dma_start3A_80 : memref<200xi32, #tpu.memory_space<hbm>>) target(%arg10 : memref<200xi32, #tpu.memory_space<vmem>>) target_semaphore(%arg12 : memref<!tpu.dma_semaphore, #tpu.memory_space<semaphore_mem>>)
    %parallel_loop3A_81 = arith.constant 0 : i32
    %parallel_loop3A_82 = arith.constant 200 : i32
    %parallel_loop3A_83 = arith.constant 1 : i32
    scf.for %parallel_loop3A_177 = %parallel_loop3A_81 to %parallel_loop3A_82 step %parallel_loop3A_83  : i32 {
      %parallel_loop3A_178 = arith.index_cast %parallel_loop3A_177 : i32 to index
      %parallel_loop3A_179 = arith.constant 0 : index
      %parallel_loop3A_180 = tpu.vector_load %arg6[%parallel_loop3A_178, %parallel_loop3A_179] {strides = array<i32>} : memref<200x128xf32, #tpu.memory_space<vmem>>, vector<1x16xf32>,
      %parallel_loop3A_181 = vector.shape_cast %parallel_loop3A_180 : vector<1x16xf32> to vector<16xf32>
      %parallel_loop3A_182 = arith.constant 8.000000e+00 : f32
      %parallel_loop3A_183 = vector.broadcast %parallel_loop3A_182 : f32 to vector<16xf32>
      %parallel_loop3A_184 = arith.mulf %parallel_loop3A_181, %parallel_loop3A_183 : vector<16xf32>
      %parallel_loop3A_185 = arith.index_cast %parallel_loop3A_177 : i32 to index
      %parallel_loop3A_186 = arith.constant 0 : index
      %parallel_loop3A_187 = tpu.vector_load %arg14[%parallel_loop3A_185, %parallel_loop3A_186] {strides = array<i32>} : memref<200x64xf32, #tpu.memory_space<vmem>>, vector<1x16xf32>,
      %parallel_loop3A_188 = vector.shape_cast %parallel_loop3A_187 : vector<1x16xf32> to vector<16xf32>
      %parallel_loop3A_189 = vector.shape_cast %parallel_loop3A_184 : vector<16xf32> to vector<1x16xf32>
      tpu.vector_store %arg14[%parallel_loop3A_185, %parallel_loop3A_186], %parallel_loop3A_189 {strides = array<i32>} : memref<200x64xf32, #tpu.memory_space<vmem>>, vector<1x16xf32>,
      %parallel_loop3A_190 = arith.index_cast %parallel_loop3A_177 : i32 to index
      %parallel_loop3A_191 = arith.constant 16 : index
      %parallel_loop3A_192 = tpu.vector_load %arg6[%parallel_loop3A_190, %parallel_loop3A_191] {strides = array<i32>} : memref<200x128xf32, #tpu.memory_space<vmem>>, vector<1x16xf32>,
      %parallel_loop3A_193 = vector.shape_cast %parallel_loop3A_192 : vector<1x16xf32> to vector<16xf32>
      %parallel_loop3A_194 = arith.constant 8.000000e+00 : f32
      %parallel_loop3A_195 = vector.broadcast %parallel_loop3A_194 : f32 to vector<16xf32>
      %parallel_loop3A_196 = arith.mulf %parallel_loop3A_193, %parallel_loop3A_195 : vector<16xf32>
      %parallel_loop3A_197 = arith.index_cast %parallel_loop3A_177 : i32 to index
      %parallel_loop3A_198 = arith.constant 16 : index
      %parallel_loop3A_199 = tpu.vector_load %arg14[%parallel_loop3A_197, %parallel_loop3A_198] {strides = array<i32>} : memref<200x64xf32, #tpu.memory_space<vmem>>, vector<1x16xf32>,
      %parallel_loop3A_200 = vector.shape_cast %parallel_loop3A_199 : vector<1x16xf32> to vector<16xf32>
      %parallel_loop3A_201 = vector.shape_cast %parallel_loop3A_196 : vector<16xf32> to vector<1x16xf32>
      tpu.vector_store %arg14[%parallel_loop3A_197, %parallel_loop3A_198], %parallel_loop3A_201 {strides = array<i32>} : memref<200x64xf32, #tpu.memory_space<vmem>>, vector<1x16xf32>,
      %parallel_loop3A_202 = arith.index_cast %parallel_loop3A_177 : i32 to index
      %parallel_loop3A_203 = arith.constant 32 : index
      %parallel_loop3A_204 = tpu.vector_load %arg6[%parallel_loop3A_202, %parallel_loop3A_203] {strides = array<i32>} : memref<200x128xf32, #tpu.memory_space<vmem>>, vector<1x16xf32>,
      %parallel_loop3A_205 = vector.shape_cast %parallel_loop3A_204 : vector<1x16xf32> to vector<16xf32>
      %parallel_loop3A_206 = arith.constant 8.000000e+00 : f32
      %parallel_loop3A_207 = vector.broadcast %parallel_loop3A_206 : f32 to vector<16xf32>
      %parallel_loop3A_208 = arith.mulf %parallel_loop3A_205, %parallel_loop3A_207 : vector<16xf32>
      %parallel_loop3A_209 = arith.index_cast %parallel_loop3A_177 : i32 to index
      %parallel_loop3A_210 = arith.constant 32 : index
      %parallel_loop3A_211 = tpu.vector_load %arg14[%parallel_loop3A_209, %parallel_loop3A_210] {strides = array<i32>} : memref<200x64xf32, #tpu.memory_space<vmem>>, vector<1x16xf32>,
      %parallel_loop3A_212 = vector.shape_cast %parallel_loop3A_211 : vector<1x16xf32> to vector<16xf32>
      %parallel_loop3A_213 = vector.shape_cast %parallel_loop3A_208 : vector<16xf32> to vector<1x16xf32>
      tpu.vector_store %arg14[%parallel_loop3A_209, %parallel_loop3A_210], %parallel_loop3A_213 {strides = array<i32>} : memref<200x64xf32, #tpu.memory_space<vmem>>, vector<1x16xf32>,
      %parallel_loop3A_214 = arith.index_cast %parallel_loop3A_177 : i32 to index
      %parallel_loop3A_215 = arith.constant 48 : index
      %parallel_loop3A_216 = tpu.vector_load %arg6[%parallel_loop3A_214, %parallel_loop3A_215] {strides = array<i32>} : memref<200x128xf32, #tpu.memory_space<vmem>>, vector<1x16xf32>,
      %parallel_loop3A_217 = vector.shape_cast %parallel_loop3A_216 : vector<1x16xf32> to vector<16xf32>
      %parallel_loop3A_218 = arith.constant 8.000000e+00 : f32
      %parallel_loop3A_219 = vector.broadcast %parallel_loop3A_218 : f32 to vector<16xf32>
      %parallel_loop3A_220 = arith.mulf %parallel_loop3A_217, %parallel_loop3A_219 : vector<16xf32>
      %parallel_loop3A_221 = arith.index_cast %parallel_loop3A_177 : i32 to index
      %parallel_loop3A_222 = arith.constant 48 : index
      %parallel_loop3A_223 = tpu.vector_load %arg14[%parallel_loop3A_221, %parallel_loop3A_222] {strides = array<i32>} : memref<200x64xf32, #tpu.memory_space<vmem>>, vector<1x16xf32>,
      %parallel_loop3A_224 = vector.shape_cast %parallel_loop3A_223 : vector<1x16xf32> to vector<16xf32>
      %parallel_loop3A_225 = vector.shape_cast %parallel_loop3A_220 : vector<16xf32> to vector<1x16xf32>
      tpu.vector_store %arg14[%parallel_loop3A_221, %parallel_loop3A_222], %parallel_loop3A_225 {strides = array<i32>} : memref<200x64xf32, #tpu.memory_space<vmem>>, vector<1x16xf32>,
    } {sc.loop_unroll_factor = 8 : i64, sc.parallel_access}
    %add3A_84 = arith.constant 1 : i32
    %add3A_85 = arith.addi %mul3A_2, %add3A_84 : i32
    %dma_start3A_86 = arith.constant 0 : i32
    %dma_start3A_87 = arith.constant 0 : i32
    %dma_start3A_88 = tpu.memref_slice %arg4[%add3A_85, %dma_start3A_86, %dma_start3A_87] : memref<4096x200x64xf32, #tpu.memory_space<hbm>> -> memref<1x200x64xf32, #tpu.memory_space<hbm>>
    %dma_start3A_89 = tpu.memref_squeeze %dma_start3A_88 : memref<1x200x64xf32, #tpu.memory_space<hbm>> -> memref<200x64xf32, #tpu.memory_space<hbm>>
    %dma_start3A_90 = arith.constant 0 : i32
    %dma_start3A_91 = arith.constant 0 : i32
    %dma_start3A_92 = tpu.memref_slice %arg4[%add3A_85, %dma_start3A_90, %dma_start3A_91] : memref<4096x200x64xf32, #tpu.memory_space<hbm>> -> memref<1x200x64xf32, #tpu.memory_space<hbm>>
    %dma_start3A_93 = tpu.memref_squeeze %dma_start3A_92 : memref<1x200x64xf32, #tpu.memory_space<hbm>> -> memref<200x64xf32, #tpu.memory_space<hbm>>
    tpu.enqueue_dma source(%arg14 : memref<200x64xf32, #tpu.memory_space<vmem>>) target(%dma_start3A_93 : memref<200x64xf32, #tpu.memory_space<hbm>>) target_semaphore(%arg16 : memref<!tpu.dma_semaphore, #tpu.memory_space<semaphore_mem>>)
    %dma_wait3A_94 = arith.constant 0 : i32
    %dma_wait3A_95 = arith.constant 0 : i32
    %dma_wait3A_96 = tpu.memref_slice %arg2[%dma_wait3A_94, %dma_wait3A_95] : memref<4096x200xi32, #tpu.memory_space<hbm>> -> memref<1x200xi32, #tpu.memory_space<hbm>>
    %dma_wait3A_97 = tpu.memref_squeeze %dma_wait3A_96 : memref<1x200xi32, #tpu.memory_space<hbm>> -> memref<200xi32, #tpu.memory_space<hbm>>
    %dma_wait3A_98 = arith.constant 0 : i32
    %dma_wait3A_99 = tpu.memref_slice %arg2[%dma_wait3A_94, %dma_wait3A_98] : memref<4096x200xi32, #tpu.memory_space<hbm>> -> memref<1x200xi32, #tpu.memory_space<hbm>>
    %dma_wait3A_100 = tpu.memref_squeeze %dma_wait3A_99 : memref<1x200xi32, #tpu.memory_space<hbm>> -> memref<200xi32, #tpu.memory_space<hbm>>
    tpu.wait_dma2 semaphore(%arg12 : memref<!tpu.dma_semaphore, #tpu.memory_space<semaphore_mem>>) src(%dma_wait3A_100 : memref<200xi32, #tpu.memory_space<hbm>>) dst(%arg10 : memref<200xi32, #tpu.memory_space<vmem>>)
    %dma_start3A_101 = arith.constant 0 : i32
    %dma_start3A_102 = arith.constant 0 : i32
    %dma_start3A_103 = tpu.memref_slice %arg3[%dma_start3A_101, %dma_start3A_102] : memref<1000000x128xf32, #tpu.memory_space<hbm>> -> memref<1000000x128xf32, #tpu.memory_space<hbm>>
    tpu.enqueue_indirect_dma source(%dma_start3A_103 : memref<1000000x128xf32, #tpu.memory_space<hbm>>) target(%arg6 : memref<200x128xf32, #tpu.memory_space<vmem>>) offsets(%arg10 : memref<200xi32, #tpu.memory_space<vmem>>) semaphore(%arg8 : memref<!tpu.dma_semaphore, #tpu.memory_space<semaphore_mem>>)
    %scan3A = arith.constant 0 : i32
    %scan3A_104 = arith.constant 1 : i32
    %scan3A_105 = arith.constant 62 : i32
    %scan3A_106 = arith.addi %scan3A_104, %scan3A_105 : i32
    %scan3A_107 = arith.constant 1 : i32
    scf.for %scan3A_177 = %scan3A_104 to %scan3A_106 step %scan3A_107  : i32 {
      %mul3A_178 = arith.constant 2 : i32
      %mul3A_179 = arith.muli %scan3A_177, %mul3A_178 : i32
      %add3A_180 = arith.constant 0 : i32
      %add3A_181 = arith.addi %mul3A_179, %add3A_180 : i32
      %dma_wait3A_182 = arith.constant 0 : i32
      %dma_wait3A_183 = arith.constant 0 : i32
      %dma_wait3A_184 = tpu.memref_slice %arg3[%dma_wait3A_182, %dma_wait3A_183] : memref<1000000x128xf32, #tpu.memory_space<hbm>> -> memref<1000000x128xf32, #tpu.memory_space<hbm>>
      tpu.wait_indirect_dma semaphore(%arg7 : memref<!tpu.dma_semaphore, #tpu.memory_space<semaphore_mem>>) src(%dma_wait3A_184 : memref<1000000x128xf32, #tpu.memory_space<hbm>>) dst(%arg5 : memref<200x128xf32, #tpu.memory_space<vmem>>)
      %add3A_185 = arith.constant 2 : i32
      %add3A_186 = arith.addi %add3A_181, %add3A_185 : i32
      %add3A_187 = arith.addi %mul3A_2, %add3A_186 : i32
      %dma_start3A_188 = arith.constant 0 : i32
      %dma_start3A_189 = tpu.memref_slice %arg2[%add3A_187, %dma_start3A_188] : memref<4096x200xi32, #tpu.memory_space<hbm>> -> memref<1x200xi32, #tpu.memory_space<hbm>>
      %dma_start3A_190 = tpu.memref_squeeze %dma_start3A_189 : memref<1x200xi32, #tpu.memory_space<hbm>> -> memref<200xi32, #tpu.memory_space<hbm>>
      %dma_start3A_191 = arith.constant 0 : i32
      %dma_start3A_192 = tpu.memref_slice %arg2[%add3A_187, %dma_start3A_191] : memref<4096x200xi32, #tpu.memory_space<hbm>> -> memref<1x200xi32, #tpu.memory_space<hbm>>
      %dma_start3A_193 = tpu.memref_squeeze %dma_start3A_192 : memref<1x200xi32, #tpu.memory_space<hbm>> -> memref<200xi32, #tpu.memory_space<hbm>>
      tpu.enqueue_dma source(%dma_start3A_193 : memref<200xi32, #tpu.memory_space<hbm>>) target(%arg9 : memref<200xi32, #tpu.memory_space<vmem>>) target_semaphore(%arg11 : memref<!tpu.dma_semaphore, #tpu.memory_space<semaphore_mem>>)
      %dma_wait3A_194 = arith.constant 0 : i32
      %dma_wait3A_195 = arith.constant 0 : i32
      %dma_wait3A_196 = arith.constant 0 : i32
      %dma_wait3A_197 = tpu.memref_slice %arg4[%dma_wait3A_194, %dma_wait3A_195, %dma_wait3A_196] : memref<4096x200x64xf32, #tpu.memory_space<hbm>> -> memref<1x200x64xf32, #tpu.memory_space<hbm>>
      %dma_wait3A_198 = tpu.memref_squeeze %dma_wait3A_197 : memref<1x200x64xf32, #tpu.memory_space<hbm>> -> memref<200x64xf32, #tpu.memory_space<hbm>>
      %dma_wait3A_199 = arith.constant 0 : i32
      %dma_wait3A_200 = arith.constant 0 : i32
      %dma_wait3A_201 = tpu.memref_slice %arg4[%dma_wait3A_194, %dma_wait3A_199, %dma_wait3A_200] : memref<4096x200x64xf32, #tpu.memory_space<hbm>> -> memref<1x200x64xf32, #tpu.memory_space<hbm>>
      %dma_wait3A_202 = tpu.memref_squeeze %dma_wait3A_201 : memref<1x200x64xf32, #tpu.memory_space<hbm>> -> memref<200x64xf32, #tpu.memory_space<hbm>>
      tpu.wait_dma2 semaphore(%arg15 : memref<!tpu.dma_semaphore, #tpu.memory_space<semaphore_mem>>) src(%arg13 : memref<200x64xf32, #tpu.memory_space<vmem>>) dst(%dma_wait3A_202 : memref<200x64xf32, #tpu.memory_space<hbm>>)
      %parallel_loop3A_203 = arith.constant 0 : i32
      %parallel_loop3A_204 = arith.constant 200 : i32
      %parallel_loop3A_205 = arith.constant 1 : i32
      scf.for %parallel_loop3A_270 = %parallel_loop3A_203 to %parallel_loop3A_204 step %parallel_loop3A_205  : i32 {
        %parallel_loop3A_271 = arith.index_cast %parallel_loop3A_270 : i32 to index
        %parallel_loop3A_272 = arith.constant 0 : index
        %parallel_loop3A_273 = tpu.vector_load %arg5[%parallel_loop3A_271, %parallel_loop3A_272] {strides = array<i32>} : memref<200x128xf32, #tpu.memory_space<vmem>>, vector<1x16xf32>,
        %parallel_loop3A_274 = vector.shape_cast %parallel_loop3A_273 : vector<1x16xf32> to vector<16xf32>
        %parallel_loop3A_275 = arith.constant 8.000000e+00 : f32
        %parallel_loop3A_276 = vector.broadcast %parallel_loop3A_275 : f32 to vector<16xf32>
        %parallel_loop3A_277 = arith.mulf %parallel_loop3A_274, %parallel_loop3A_276 : vector<16xf32>
        %parallel_loop3A_278 = arith.index_cast %parallel_loop3A_270 : i32 to index
        %parallel_loop3A_279 = arith.constant 0 : index
        %parallel_loop3A_280 = tpu.vector_load %arg13[%parallel_loop3A_278, %parallel_loop3A_279] {strides = array<i32>} : memref<200x64xf32, #tpu.memory_space<vmem>>, vector<1x16xf32>,
        %parallel_loop3A_281 = vector.shape_cast %parallel_loop3A_280 : vector<1x16xf32> to vector<16xf32>
        %parallel_loop3A_282 = vector.shape_cast %parallel_loop3A_277 : vector<16xf32> to vector<1x16xf32>
        tpu.vector_store %arg13[%parallel_loop3A_278, %parallel_loop3A_279], %parallel_loop3A_282 {strides = array<i32>} : memref<200x64xf32, #tpu.memory_space<vmem>>, vector<1x16xf32>,
        %parallel_loop3A_283 = arith.index_cast %parallel_loop3A_270 : i32 to index
        %parallel_loop3A_284 = arith.constant 16 : index
        %parallel_loop3A_285 = tpu.vector_load %arg5[%parallel_loop3A_283, %parallel_loop3A_284] {strides = array<i32>} : memref<200x128xf32, #tpu.memory_space<vmem>>, vector<1x16xf32>,
        %parallel_loop3A_286 = vector.shape_cast %parallel_loop3A_285 : vector<1x16xf32> to vector<16xf32>
        %parallel_loop3A_287 = arith.constant 8.000000e+00 : f32
        %parallel_loop3A_288 = vector.broadcast %parallel_loop3A_287 : f32 to vector<16xf32>
        %parallel_loop3A_289 = arith.mulf %parallel_loop3A_286, %parallel_loop3A_288 : vector<16xf32>
        %parallel_loop3A_290 = arith.index_cast %parallel_loop3A_270 : i32 to index
        %parallel_loop3A_291 = arith.constant 16 : index
        %parallel_loop3A_292 = tpu.vector_load %arg13[%parallel_loop3A_290, %parallel_loop3A_291] {strides = array<i32>} : memref<200x64xf32, #tpu.memory_space<vmem>>, vector<1x16xf32>,
        %parallel_loop3A_293 = vector.shape_cast %parallel_loop3A_292 : vector<1x16xf32> to vector<16xf32>
        %parallel_loop3A_294 = vector.shape_cast %parallel_loop3A_289 : vector<16xf32> to vector<1x16xf32>
        tpu.vector_store %arg13[%parallel_loop3A_290, %parallel_loop3A_291], %parallel_loop3A_294 {strides = array<i32>} : memref<200x64xf32, #tpu.memory_space<vmem>>, vector<1x16xf32>,
        %parallel_loop3A_295 = arith.index_cast %parallel_loop3A_270 : i32 to index
        %parallel_loop3A_296 = arith.constant 32 : index
        %parallel_loop3A_297 = tpu.vector_load %arg5[%parallel_loop3A_295, %parallel_loop3A_296] {strides = array<i32>} : memref<200x128xf32, #tpu.memory_space<vmem>>, vector<1x16xf32>,
        %parallel_loop3A_298 = vector.shape_cast %parallel_loop3A_297 : vector<1x16xf32> to vector<16xf32>
        %parallel_loop3A_299 = arith.constant 8.000000e+00 : f32
        %parallel_loop3A_300 = vector.broadcast %parallel_loop3A_299 : f32 to vector<16xf32>
        %parallel_loop3A_301 = arith.mulf %parallel_loop3A_298, %parallel_loop3A_300 : vector<16xf32>
        %parallel_loop3A_302 = arith.index_cast %parallel_loop3A_270 : i32 to index
        %parallel_loop3A_303 = arith.constant 32 : index
        %parallel_loop3A_304 = tpu.vector_load %arg13[%parallel_loop3A_302, %parallel_loop3A_303] {strides = array<i32>} : memref<200x64xf32, #tpu.memory_space<vmem>>, vector<1x16xf32>,
        %parallel_loop3A_305 = vector.shape_cast %parallel_loop3A_304 : vector<1x16xf32> to vector<16xf32>
        %parallel_loop3A_306 = vector.shape_cast %parallel_loop3A_301 : vector<16xf32> to vector<1x16xf32>
        tpu.vector_store %arg13[%parallel_loop3A_302, %parallel_loop3A_303], %parallel_loop3A_306 {strides = array<i32>} : memref<200x64xf32, #tpu.memory_space<vmem>>, vector<1x16xf32>,
        %parallel_loop3A_307 = arith.index_cast %parallel_loop3A_270 : i32 to index
        %parallel_loop3A_308 = arith.constant 48 : index
        %parallel_loop3A_309 = tpu.vector_load %arg5[%parallel_loop3A_307, %parallel_loop3A_308] {strides = array<i32>} : memref<200x128xf32, #tpu.memory_space<vmem>>, vector<1x16xf32>,
        %parallel_loop3A_310 = vector.shape_cast %parallel_loop3A_309 : vector<1x16xf32> to vector<16xf32>
        %parallel_loop3A_311 = arith.constant 8.000000e+00 : f32
        %parallel_loop3A_312 = vector.broadcast %parallel_loop3A_311 : f32 to vector<16xf32>
        %parallel_loop3A_313 = arith.mulf %parallel_loop3A_310, %parallel_loop3A_312 : vector<16xf32>
        %parallel_loop3A_314 = arith.index_cast %parallel_loop3A_270 : i32 to index
        %parallel_loop3A_315 = arith.constant 48 : index
        %parallel_loop3A_316 = tpu.vector_load %arg13[%parallel_loop3A_314, %parallel_loop3A_315] {strides = array<i32>} : memref<200x64xf32, #tpu.memory_space<vmem>>, vector<1x16xf32>,
        %parallel_loop3A_317 = vector.shape_cast %parallel_loop3A_316 : vector<1x16xf32> to vector<16xf32>
        %parallel_loop3A_318 = vector.shape_cast %parallel_loop3A_313 : vector<16xf32> to vector<1x16xf32>
        tpu.vector_store %arg13[%parallel_loop3A_314, %parallel_loop3A_315], %parallel_loop3A_318 {strides = array<i32>} : memref<200x64xf32, #tpu.memory_space<vmem>>, vector<1x16xf32>,
      } {sc.loop_unroll_factor = 8 : i64, sc.parallel_access}
      %add3A_206 = arith.addi %mul3A_2, %add3A_181 : i32
      %dma_start3A_207 = arith.constant 0 : i32
      %dma_start3A_208 = arith.constant 0 : i32
      %dma_start3A_209 = tpu.memref_slice %arg4[%add3A_206, %dma_start3A_207, %dma_start3A_208] : memref<4096x200x64xf32, #tpu.memory_space<hbm>> -> memref<1x200x64xf32, #tpu.memory_space<hbm>>
      %dma_start3A_210 = tpu.memref_squeeze %dma_start3A_209 : memref<1x200x64xf32, #tpu.memory_space<hbm>> -> memref<200x64xf32, #tpu.memory_space<hbm>>
      %dma_start3A_211 = arith.constant 0 : i32
      %dma_start3A_212 = arith.constant 0 : i32
      %dma_start3A_213 = tpu.memref_slice %arg4[%add3A_206, %dma_start3A_211, %dma_start3A_212] : memref<4096x200x64xf32, #tpu.memory_space<hbm>> -> memref<1x200x64xf32, #tpu.memory_space<hbm>>
      %dma_start3A_214 = tpu.memref_squeeze %dma_start3A_213 : memref<1x200x64xf32, #tpu.memory_space<hbm>> -> memref<200x64xf32, #tpu.memory_space<hbm>>
      tpu.enqueue_dma source(%arg13 : memref<200x64xf32, #tpu.memory_space<vmem>>) target(%dma_start3A_214 : memref<200x64xf32, #tpu.memory_space<hbm>>) target_semaphore(%arg15 : memref<!tpu.dma_semaphore, #tpu.memory_space<semaphore_mem>>)
      %dma_wait3A_215 = arith.constant 0 : i32
      %dma_wait3A_216 = arith.constant 0 : i32
      %dma_wait3A_217 = tpu.memref_slice %arg2[%dma_wait3A_215, %dma_wait3A_216] : memref<4096x200xi32, #tpu.memory_space<hbm>> -> memref<1x200xi32, #tpu.memory_space<hbm>>
      %dma_wait3A_218 = tpu.memref_squeeze %dma_wait3A_217 : memref<1x200xi32, #tpu.memory_space<hbm>> -> memref<200xi32, #tpu.memory_space<hbm>>
      %dma_wait3A_219 = arith.constant 0 : i32
      %dma_wait3A_220 = tpu.memref_slice %arg2[%dma_wait3A_215, %dma_wait3A_219] : memref<4096x200xi32, #tpu.memory_space<hbm>> -> memref<1x200xi32, #tpu.memory_space<hbm>>
      %dma_wait3A_221 = tpu.memref_squeeze %dma_wait3A_220 : memref<1x200xi32, #tpu.memory_space<hbm>> -> memref<200xi32, #tpu.memory_space<hbm>>
      tpu.wait_dma2 semaphore(%arg11 : memref<!tpu.dma_semaphore, #tpu.memory_space<semaphore_mem>>) src(%dma_wait3A_221 : memref<200xi32, #tpu.memory_space<hbm>>) dst(%arg9 : memref<200xi32, #tpu.memory_space<vmem>>)
      %dma_start3A_222 = arith.constant 0 : i32
      %dma_start3A_223 = arith.constant 0 : i32
      %dma_start3A_224 = tpu.memref_slice %arg3[%dma_start3A_222, %dma_start3A_223] : memref<1000000x128xf32, #tpu.memory_space<hbm>> -> memref<1000000x128xf32, #tpu.memory_space<hbm>>
      tpu.enqueue_indirect_dma source(%dma_start3A_224 : memref<1000000x128xf32, #tpu.memory_space<hbm>>) target(%arg5 : memref<200x128xf32, #tpu.memory_space<vmem>>) offsets(%arg9 : memref<200xi32, #tpu.memory_space<vmem>>) semaphore(%arg7 : memref<!tpu.dma_semaphore, #tpu.memory_space<semaphore_mem>>)
      %add3A_225 = arith.constant 1 : i32
      %add3A_226 = arith.addi %mul3A_179, %add3A_225 : i32
      %dma_wait3A_227 = arith.constant 0 : i32
      %dma_wait3A_228 = arith.constant 0 : i32
      %dma_wait3A_229 = tpu.memref_slice %arg3[%dma_wait3A_227, %dma_wait3A_228] : memref<1000000x128xf32, #tpu.memory_space<hbm>> -> memref<1000000x128xf32, #tpu.memory_space<hbm>>
      tpu.wait_indirect_dma semaphore(%arg8 : memref<!tpu.dma_semaphore, #tpu.memory_space<semaphore_mem>>) src(%dma_wait3A_229 : memref<1000000x128xf32, #tpu.memory_space<hbm>>) dst(%arg6 : memref<200x128xf32, #tpu.memory_space<vmem>>)
      %add3A_230 = arith.constant 2 : i32
      %add3A_231 = arith.addi %add3A_226, %add3A_230 : i32
      %add3A_232 = arith.addi %mul3A_2, %add3A_231 : i32
      %dma_start3A_233 = arith.constant 0 : i32
      %dma_start3A_234 = tpu.memref_slice %arg2[%add3A_232, %dma_start3A_233] : memref<4096x200xi32, #tpu.memory_space<hbm>> -> memref<1x200xi32, #tpu.memory_space<hbm>>
      %dma_start3A_235 = tpu.memref_squeeze %dma_start3A_234 : memref<1x200xi32, #tpu.memory_space<hbm>> -> memref<200xi32, #tpu.memory_space<hbm>>
      %dma_start3A_236 = arith.constant 0 : i32
      %dma_start3A_237 = tpu.memref_slice %arg2[%add3A_232, %dma_start3A_236] : memref<4096x200xi32, #tpu.memory_space<hbm>> -> memref<1x200xi32, #tpu.memory_space<hbm>>
      %dma_start3A_238 = tpu.memref_squeeze %dma_start3A_237 : memref<1x200xi32, #tpu.memory_space<hbm>> -> memref<200xi32, #tpu.memory_space<hbm>>
      tpu.enqueue_dma source(%dma_start3A_238 : memref<200xi32, #tpu.memory_space<hbm>>) target(%arg10 : memref<200xi32, #tpu.memory_space<vmem>>) target_semaphore(%arg12 : memref<!tpu.dma_semaphore, #tpu.memory_space<semaphore_mem>>)
      %dma_wait3A_239 = arith.constant 0 : i32
      %dma_wait3A_240 = arith.constant 0 : i32
      %dma_wait3A_241 = arith.constant 0 : i32
      %dma_wait3A_242 = tpu.memref_slice %arg4[%dma_wait3A_239, %dma_wait3A_240, %dma_wait3A_241] : memref<4096x200x64xf32, #tpu.memory_space<hbm>> -> memref<1x200x64xf32, #tpu.memory_space<hbm>>
      %dma_wait3A_243 = tpu.memref_squeeze %dma_wait3A_242 : memref<1x200x64xf32, #tpu.memory_space<hbm>> -> memref<200x64xf32, #tpu.memory_space<hbm>>
      %dma_wait3A_244 = arith.constant 0 : i32
      %dma_wait3A_245 = arith.constant 0 : i32
      %dma_wait3A_246 = tpu.memref_slice %arg4[%dma_wait3A_239, %dma_wait3A_244, %dma_wait3A_245] : memref<4096x200x64xf32, #tpu.memory_space<hbm>> -> memref<1x200x64xf32, #tpu.memory_space<hbm>>
      %dma_wait3A_247 = tpu.memref_squeeze %dma_wait3A_246 : memref<1x200x64xf32, #tpu.memory_space<hbm>> -> memref<200x64xf32, #tpu.memory_space<hbm>>
      tpu.wait_dma2 semaphore(%arg16 : memref<!tpu.dma_semaphore, #tpu.memory_space<semaphore_mem>>) src(%arg14 : memref<200x64xf32, #tpu.memory_space<vmem>>) dst(%dma_wait3A_247 : memref<200x64xf32, #tpu.memory_space<hbm>>)
      %parallel_loop3A_248 = arith.constant 0 : i32
      %parallel_loop3A_249 = arith.constant 200 : i32
      %parallel_loop3A_250 = arith.constant 1 : i32
      scf.for %parallel_loop3A_270 = %parallel_loop3A_248 to %parallel_loop3A_249 step %parallel_loop3A_250  : i32 {
        %parallel_loop3A_271 = arith.index_cast %parallel_loop3A_270 : i32 to index
        %parallel_loop3A_272 = arith.constant 0 : index
        %parallel_loop3A_273 = tpu.vector_load %arg6[%parallel_loop3A_271, %parallel_loop3A_272] {strides = array<i32>} : memref<200x128xf32, #tpu.memory_space<vmem>>, vector<1x16xf32>,
        %parallel_loop3A_274 = vector.shape_cast %parallel_loop3A_273 : vector<1x16xf32> to vector<16xf32>
        %parallel_loop3A_275 = arith.constant 8.000000e+00 : f32
        %parallel_loop3A_276 = vector.broadcast %parallel_loop3A_275 : f32 to vector<16xf32>
        %parallel_loop3A_277 = arith.mulf %parallel_loop3A_274, %parallel_loop3A_276 : vector<16xf32>
        %parallel_loop3A_278 = arith.index_cast %parallel_loop3A_270 : i32 to index
        %parallel_loop3A_279 = arith.constant 0 : index
        %parallel_loop3A_280 = tpu.vector_load %arg14[%parallel_loop3A_278, %parallel_loop3A_279] {strides = array<i32>} : memref<200x64xf32, #tpu.memory_space<vmem>>, vector<1x16xf32>,
        %parallel_loop3A_281 = vector.shape_cast %parallel_loop3A_280 : vector<1x16xf32> to vector<16xf32>
        %parallel_loop3A_282 = vector.shape_cast %parallel_loop3A_277 : vector<16xf32> to vector<1x16xf32>
        tpu.vector_store %arg14[%parallel_loop3A_278, %parallel_loop3A_279], %parallel_loop3A_282 {strides = array<i32>} : memref<200x64xf32, #tpu.memory_space<vmem>>, vector<1x16xf32>,
        %parallel_loop3A_283 = arith.index_cast %parallel_loop3A_270 : i32 to index
        %parallel_loop3A_284 = arith.constant 16 : index
        %parallel_loop3A_285 = tpu.vector_load %arg6[%parallel_loop3A_283, %parallel_loop3A_284] {strides = array<i32>} : memref<200x128xf32, #tpu.memory_space<vmem>>, vector<1x16xf32>,
        %parallel_loop3A_286 = vector.shape_cast %parallel_loop3A_285 : vector<1x16xf32> to vector<16xf32>
        %parallel_loop3A_287 = arith.constant 8.000000e+00 : f32
        %parallel_loop3A_288 = vector.broadcast %parallel_loop3A_287 : f32 to vector<16xf32>
        %parallel_loop3A_289 = arith.mulf %parallel_loop3A_286, %parallel_loop3A_288 : vector<16xf32>
        %parallel_loop3A_290 = arith.index_cast %parallel_loop3A_270 : i32 to index
        %parallel_loop3A_291 = arith.constant 16 : index
        %parallel_loop3A_292 = tpu.vector_load %arg14[%parallel_loop3A_290, %parallel_loop3A_291] {strides = array<i32>} : memref<200x64xf32, #tpu.memory_space<vmem>>, vector<1x16xf32>,
        %parallel_loop3A_293 = vector.shape_cast %parallel_loop3A_292 : vector<1x16xf32> to vector<16xf32>
        %parallel_loop3A_294 = vector.shape_cast %parallel_loop3A_289 : vector<16xf32> to vector<1x16xf32>
        tpu.vector_store %arg14[%parallel_loop3A_290, %parallel_loop3A_291], %parallel_loop3A_294 {strides = array<i32>} : memref<200x64xf32, #tpu.memory_space<vmem>>, vector<1x16xf32>,
        %parallel_loop3A_295 = arith.index_cast %parallel_loop3A_270 : i32 to index
        %parallel_loop3A_296 = arith.constant 32 : index
        %parallel_loop3A_297 = tpu.vector_load %arg6[%parallel_loop3A_295, %parallel_loop3A_296] {strides = array<i32>} : memref<200x128xf32, #tpu.memory_space<vmem>>, vector<1x16xf32>,
        %parallel_loop3A_298 = vector.shape_cast %parallel_loop3A_297 : vector<1x16xf32> to vector<16xf32>
        %parallel_loop3A_299 = arith.constant 8.000000e+00 : f32
        %parallel_loop3A_300 = vector.broadcast %parallel_loop3A_299 : f32 to vector<16xf32>
        %parallel_loop3A_301 = arith.mulf %parallel_loop3A_298, %parallel_loop3A_300 : vector<16xf32>
        %parallel_loop3A_302 = arith.index_cast %parallel_loop3A_270 : i32 to index
        %parallel_loop3A_303 = arith.constant 32 : index
        %parallel_loop3A_304 = tpu.vector_load %arg14[%parallel_loop3A_302, %parallel_loop3A_303] {strides = array<i32>} : memref<200x64xf32, #tpu.memory_space<vmem>>, vector<1x16xf32>,
        %parallel_loop3A_305 = vector.shape_cast %parallel_loop3A_304 : vector<1x16xf32> to vector<16xf32>
        %parallel_loop3A_306 = vector.shape_cast %parallel_loop3A_301 : vector<16xf32> to vector<1x16xf32>
        tpu.vector_store %arg14[%parallel_loop3A_302, %parallel_loop3A_303], %parallel_loop3A_306 {strides = array<i32>} : memref<200x64xf32, #tpu.memory_space<vmem>>, vector<1x16xf32>,
        %parallel_loop3A_307 = arith.index_cast %parallel_loop3A_270 : i32 to index
        %parallel_loop3A_308 = arith.constant 48 : index
        %parallel_loop3A_309 = tpu.vector_load %arg6[%parallel_loop3A_307, %parallel_loop3A_308] {strides = array<i32>} : memref<200x128xf32, #tpu.memory_space<vmem>>, vector<1x16xf32>,
        %parallel_loop3A_310 = vector.shape_cast %parallel_loop3A_309 : vector<1x16xf32> to vector<16xf32>
        %parallel_loop3A_311 = arith.constant 8.000000e+00 : f32
        %parallel_loop3A_312 = vector.broadcast %parallel_loop3A_311 : f32 to vector<16xf32>
        %parallel_loop3A_313 = arith.mulf %parallel_loop3A_310, %parallel_loop3A_312 : vector<16xf32>
        %parallel_loop3A_314 = arith.index_cast %parallel_loop3A_270 : i32 to index
        %parallel_loop3A_315 = arith.constant 48 : index
        %parallel_loop3A_316 = tpu.vector_load %arg14[%parallel_loop3A_314, %parallel_loop3A_315] {strides = array<i32>} : memref<200x64xf32, #tpu.memory_space<vmem>>, vector<1x16xf32>,
        %parallel_loop3A_317 = vector.shape_cast %parallel_loop3A_316 : vector<1x16xf32> to vector<16xf32>
        %parallel_loop3A_318 = vector.shape_cast %parallel_loop3A_313 : vector<16xf32> to vector<1x16xf32>
        tpu.vector_store %arg14[%parallel_loop3A_314, %parallel_loop3A_315], %parallel_loop3A_318 {strides = array<i32>} : memref<200x64xf32, #tpu.memory_space<vmem>>, vector<1x16xf32>,
      } {sc.loop_unroll_factor = 8 : i64, sc.parallel_access}
      %add3A_251 = arith.addi %mul3A_2, %add3A_226 : i32
      %dma_start3A_252 = arith.constant 0 : i32
      %dma_start3A_253 = arith.constant 0 : i32
      %dma_start3A_254 = tpu.memref_slice %arg4[%add3A_251, %dma_start3A_252, %dma_start3A_253] : memref<4096x200x64xf32, #tpu.memory_space<hbm>> -> memref<1x200x64xf32, #tpu.memory_space<hbm>>
      %dma_start3A_255 = tpu.memref_squeeze %dma_start3A_254 : memref<1x200x64xf32, #tpu.memory_space<hbm>> -> memref<200x64xf32, #tpu.memory_space<hbm>>
      %dma_start3A_256 = arith.constant 0 : i32
      %dma_start3A_257 = arith.constant 0 : i32
      %dma_start3A_258 = tpu.memref_slice %arg4[%add3A_251, %dma_start3A_256, %dma_start3A_257] : memref<4096x200x64xf32, #tpu.memory_space<hbm>> -> memref<1x200x64xf32, #tpu.memory_space<hbm>>
      %dma_start3A_259 = tpu.memref_squeeze %dma_start3A_258 : memref<1x200x64xf32, #tpu.memory_space<hbm>> -> memref<200x64xf32, #tpu.memory_space<hbm>>
      tpu.enqueue_dma source(%arg14 : memref<200x64xf32, #tpu.memory_space<vmem>>) target(%dma_start3A_259 : memref<200x64xf32, #tpu.memory_space<hbm>>) target_semaphore(%arg16 : memref<!tpu.dma_semaphore, #tpu.memory_space<semaphore_mem>>)
      %dma_wait3A_260 = arith.constant 0 : i32
      %dma_wait3A_261 = arith.constant 0 : i32
      %dma_wait3A_262 = tpu.memref_slice %arg2[%dma_wait3A_260, %dma_wait3A_261] : memref<4096x200xi32, #tpu.memory_space<hbm>> -> memref<1x200xi32, #tpu.memory_space<hbm>>
      %dma_wait3A_263 = tpu.memref_squeeze %dma_wait3A_262 : memref<1x200xi32, #tpu.memory_space<hbm>> -> memref<200xi32, #tpu.memory_space<hbm>>
      %dma_wait3A_264 = arith.constant 0 : i32
      %dma_wait3A_265 = tpu.memref_slice %arg2[%dma_wait3A_260, %dma_wait3A_264] : memref<4096x200xi32, #tpu.memory_space<hbm>> -> memref<1x200xi32, #tpu.memory_space<hbm>>
      %dma_wait3A_266 = tpu.memref_squeeze %dma_wait3A_265 : memref<1x200xi32, #tpu.memory_space<hbm>> -> memref<200xi32, #tpu.memory_space<hbm>>
      tpu.wait_dma2 semaphore(%arg12 : memref<!tpu.dma_semaphore, #tpu.memory_space<semaphore_mem>>) src(%dma_wait3A_266 : memref<200xi32, #tpu.memory_space<hbm>>) dst(%arg10 : memref<200xi32, #tpu.memory_space<vmem>>)
      %dma_start3A_267 = arith.constant 0 : i32
      %dma_start3A_268 = arith.constant 0 : i32
      %dma_start3A_269 = tpu.memref_slice %arg3[%dma_start3A_267, %dma_start3A_268] : memref<1000000x128xf32, #tpu.memory_space<hbm>> -> memref<1000000x128xf32, #tpu.memory_space<hbm>>
      tpu.enqueue_indirect_dma source(%dma_start3A_269 : memref<1000000x128xf32, #tpu.memory_space<hbm>>) target(%arg6 : memref<200x128xf32, #tpu.memory_space<vmem>>) offsets(%arg10 : memref<200xi32, #tpu.memory_space<vmem>>) semaphore(%arg8 : memref<!tpu.dma_semaphore, #tpu.memory_space<semaphore_mem>>)
    }
    %scan3A_108 = arith.constant 62 : i32
    %dma_wait3A_109 = arith.constant 0 : i32
    %dma_wait3A_110 = arith.constant 0 : i32
    %dma_wait3A_111 = tpu.memref_slice %arg3[%dma_wait3A_109, %dma_wait3A_110] : memref<1000000x128xf32, #tpu.memory_space<hbm>> -> memref<1000000x128xf32, #tpu.memory_space<hbm>>
    tpu.wait_indirect_dma semaphore(%arg7 : memref<!tpu.dma_semaphore, #tpu.memory_space<semaphore_mem>>) src(%dma_wait3A_111 : memref<1000000x128xf32, #tpu.memory_space<hbm>>) dst(%arg5 : memref<200x128xf32, #tpu.memory_space<vmem>>)
    %dma_wait3A_112 = arith.constant 0 : i32
    %dma_wait3A_113 = arith.constant 0 : i32
    %dma_wait3A_114 = arith.constant 0 : i32
    %dma_wait3A_115 = tpu.memref_slice %arg4[%dma_wait3A_112, %dma_wait3A_113, %dma_wait3A_114] : memref<4096x200x64xf32, #tpu.memory_space<hbm>> -> memref<1x200x64xf32, #tpu.memory_space<hbm>>
    %dma_wait3A_116 = tpu.memref_squeeze %dma_wait3A_115 : memref<1x200x64xf32, #tpu.memory_space<hbm>> -> memref<200x64xf32, #tpu.memory_space<hbm>>
    %dma_wait3A_117 = arith.constant 0 : i32
    %dma_wait3A_118 = arith.constant 0 : i32
    %dma_wait3A_119 = tpu.memref_slice %arg4[%dma_wait3A_112, %dma_wait3A_117, %dma_wait3A_118] : memref<4096x200x64xf32, #tpu.memory_space<hbm>> -> memref<1x200x64xf32, #tpu.memory_space<hbm>>
    %dma_wait3A_120 = tpu.memref_squeeze %dma_wait3A_119 : memref<1x200x64xf32, #tpu.memory_space<hbm>> -> memref<200x64xf32, #tpu.memory_space<hbm>>
    tpu.wait_dma2 semaphore(%arg15 : memref<!tpu.dma_semaphore, #tpu.memory_space<semaphore_mem>>) src(%arg13 : memref<200x64xf32, #tpu.memory_space<vmem>>) dst(%dma_wait3A_120 : memref<200x64xf32, #tpu.memory_space<hbm>>)
    %parallel_loop3A_121 = arith.constant 0 : i32
    %parallel_loop3A_122 = arith.constant 200 : i32
    %parallel_loop3A_123 = arith.constant 1 : i32
    scf.for %parallel_loop3A_177 = %parallel_loop3A_121 to %parallel_loop3A_122 step %parallel_loop3A_123  : i32 {
      %parallel_loop3A_178 = arith.index_cast %parallel_loop3A_177 : i32 to index
      %parallel_loop3A_179 = arith.constant 0 : index
      %parallel_loop3A_180 = tpu.vector_load %arg5[%parallel_loop3A_178, %parallel_loop3A_179] {strides = array<i32>} : memref<200x128xf32, #tpu.memory_space<vmem>>, vector<1x16xf32>,
      %parallel_loop3A_181 = vector.shape_cast %parallel_loop3A_180 : vector<1x16xf32> to vector<16xf32>
      %parallel_loop3A_182 = arith.constant 8.000000e+00 : f32
      %parallel_loop3A_183 = vector.broadcast %parallel_loop3A_182 : f32 to vector<16xf32>
      %parallel_loop3A_184 = arith.mulf %parallel_loop3A_181, %parallel_loop3A_183 : vector<16xf32>
      %parallel_loop3A_185 = arith.index_cast %parallel_loop3A_177 : i32 to index
      %parallel_loop3A_186 = arith.constant 0 : index
      %parallel_loop3A_187 = tpu.vector_load %arg13[%parallel_loop3A_185, %parallel_loop3A_186] {strides = array<i32>} : memref<200x64xf32, #tpu.memory_space<vmem>>, vector<1x16xf32>,
      %parallel_loop3A_188 = vector.shape_cast %parallel_loop3A_187 : vector<1x16xf32> to vector<16xf32>
      %parallel_loop3A_189 = vector.shape_cast %parallel_loop3A_184 : vector<16xf32> to vector<1x16xf32>
      tpu.vector_store %arg13[%parallel_loop3A_185, %parallel_loop3A_186], %parallel_loop3A_189 {strides = array<i32>} : memref<200x64xf32, #tpu.memory_space<vmem>>, vector<1x16xf32>,
      %parallel_loop3A_190 = arith.index_cast %parallel_loop3A_177 : i32 to index
      %parallel_loop3A_191 = arith.constant 16 : index
      %parallel_loop3A_192 = tpu.vector_load %arg5[%parallel_loop3A_190, %parallel_loop3A_191] {strides = array<i32>} : memref<200x128xf32, #tpu.memory_space<vmem>>, vector<1x16xf32>,
      %parallel_loop3A_193 = vector.shape_cast %parallel_loop3A_192 : vector<1x16xf32> to vector<16xf32>
      %parallel_loop3A_194 = arith.constant 8.000000e+00 : f32
      %parallel_loop3A_195 = vector.broadcast %parallel_loop3A_194 : f32 to vector<16xf32>
      %parallel_loop3A_196 = arith.mulf %parallel_loop3A_193, %parallel_loop3A_195 : vector<16xf32>
      %parallel_loop3A_197 = arith.index_cast %parallel_loop3A_177 : i32 to index
      %parallel_loop3A_198 = arith.constant 16 : index
      %parallel_loop3A_199 = tpu.vector_load %arg13[%parallel_loop3A_197, %parallel_loop3A_198] {strides = array<i32>} : memref<200x64xf32, #tpu.memory_space<vmem>>, vector<1x16xf32>,
      %parallel_loop3A_200 = vector.shape_cast %parallel_loop3A_199 : vector<1x16xf32> to vector<16xf32>
      %parallel_loop3A_201 = vector.shape_cast %parallel_loop3A_196 : vector<16xf32> to vector<1x16xf32>
      tpu.vector_store %arg13[%parallel_loop3A_197, %parallel_loop3A_198], %parallel_loop3A_201 {strides = array<i32>} : memref<200x64xf32, #tpu.memory_space<vmem>>, vector<1x16xf32>,
      %parallel_loop3A_202 = arith.index_cast %parallel_loop3A_177 : i32 to index
      %parallel_loop3A_203 = arith.constant 32 : index
      %parallel_loop3A_204 = tpu.vector_load %arg5[%parallel_loop3A_202, %parallel_loop3A_203] {strides = array<i32>} : memref<200x128xf32, #tpu.memory_space<vmem>>, vector<1x16xf32>,
      %parallel_loop3A_205 = vector.shape_cast %parallel_loop3A_204 : vector<1x16xf32> to vector<16xf32>
      %parallel_loop3A_206 = arith.constant 8.000000e+00 : f32
      %parallel_loop3A_207 = vector.broadcast %parallel_loop3A_206 : f32 to vector<16xf32>
      %parallel_loop3A_208 = arith.mulf %parallel_loop3A_205, %parallel_loop3A_207 : vector<16xf32>
      %parallel_loop3A_209 = arith.index_cast %parallel_loop3A_177 : i32 to index
      %parallel_loop3A_210 = arith.constant 32 : index
      %parallel_loop3A_211 = tpu.vector_load %arg13[%parallel_loop3A_209, %parallel_loop3A_210] {strides = array<i32>} : memref<200x64xf32, #tpu.memory_space<vmem>>, vector<1x16xf32>,
      %parallel_loop3A_212 = vector.shape_cast %parallel_loop3A_211 : vector<1x16xf32> to vector<16xf32>
      %parallel_loop3A_213 = vector.shape_cast %parallel_loop3A_208 : vector<16xf32> to vector<1x16xf32>
      tpu.vector_store %arg13[%parallel_loop3A_209, %parallel_loop3A_210], %parallel_loop3A_213 {strides = array<i32>} : memref<200x64xf32, #tpu.memory_space<vmem>>, vector<1x16xf32>,
      %parallel_loop3A_214 = arith.index_cast %parallel_loop3A_177 : i32 to index
      %parallel_loop3A_215 = arith.constant 48 : index
      %parallel_loop3A_216 = tpu.vector_load %arg5[%parallel_loop3A_214, %parallel_loop3A_215] {strides = array<i32>} : memref<200x128xf32, #tpu.memory_space<vmem>>, vector<1x16xf32>,
      %parallel_loop3A_217 = vector.shape_cast %parallel_loop3A_216 : vector<1x16xf32> to vector<16xf32>
      %parallel_loop3A_218 = arith.constant 8.000000e+00 : f32
      %parallel_loop3A_219 = vector.broadcast %parallel_loop3A_218 : f32 to vector<16xf32>
      %parallel_loop3A_220 = arith.mulf %parallel_loop3A_217, %parallel_loop3A_219 : vector<16xf32>
      %parallel_loop3A_221 = arith.index_cast %parallel_loop3A_177 : i32 to index
      %parallel_loop3A_222 = arith.constant 48 : index
      %parallel_loop3A_223 = tpu.vector_load %arg13[%parallel_loop3A_221, %parallel_loop3A_222] {strides = array<i32>} : memref<200x64xf32, #tpu.memory_space<vmem>>, vector<1x16xf32>,
      %parallel_loop3A_224 = vector.shape_cast %parallel_loop3A_223 : vector<1x16xf32> to vector<16xf32>
      %parallel_loop3A_225 = vector.shape_cast %parallel_loop3A_220 : vector<16xf32> to vector<1x16xf32>
      tpu.vector_store %arg13[%parallel_loop3A_221, %parallel_loop3A_222], %parallel_loop3A_225 {strides = array<i32>} : memref<200x64xf32, #tpu.memory_space<vmem>>, vector<1x16xf32>,
    } {sc.loop_unroll_factor = 8 : i64, sc.parallel_access}
    %add3A_124 = arith.constant 126 : i32
    %add3A_125 = arith.addi %mul3A_2, %add3A_124 : i32
    %dma_start3A_126 = arith.constant 0 : i32
    %dma_start3A_127 = arith.constant 0 : i32
    %dma_start3A_128 = tpu.memref_slice %arg4[%add3A_125, %dma_start3A_126, %dma_start3A_127] : memref<4096x200x64xf32, #tpu.memory_space<hbm>> -> memref<1x200x64xf32, #tpu.memory_space<hbm>>
    %dma_start3A_129 = tpu.memref_squeeze %dma_start3A_128 : memref<1x200x64xf32, #tpu.memory_space<hbm>> -> memref<200x64xf32, #tpu.memory_space<hbm>>
    %dma_start3A_130 = arith.constant 0 : i32
    %dma_start3A_131 = arith.constant 0 : i32
    %dma_start3A_132 = tpu.memref_slice %arg4[%add3A_125, %dma_start3A_130, %dma_start3A_131] : memref<4096x200x64xf32, #tpu.memory_space<hbm>> -> memref<1x200x64xf32, #tpu.memory_space<hbm>>
    %dma_start3A_133 = tpu.memref_squeeze %dma_start3A_132 : memref<1x200x64xf32, #tpu.memory_space<hbm>> -> memref<200x64xf32, #tpu.memory_space<hbm>>
    tpu.enqueue_dma source(%arg13 : memref<200x64xf32, #tpu.memory_space<vmem>>) target(%dma_start3A_133 : memref<200x64xf32, #tpu.memory_space<hbm>>) target_semaphore(%arg15 : memref<!tpu.dma_semaphore, #tpu.memory_space<semaphore_mem>>)
    %dma_wait3A_134 = arith.constant 0 : i32
    %dma_wait3A_135 = arith.constant 0 : i32
    %dma_wait3A_136 = tpu.memref_slice %arg3[%dma_wait3A_134, %dma_wait3A_135] : memref<1000000x128xf32, #tpu.memory_space<hbm>> -> memref<1000000x128xf32, #tpu.memory_space<hbm>>
    tpu.wait_indirect_dma semaphore(%arg8 : memref<!tpu.dma_semaphore, #tpu.memory_space<semaphore_mem>>) src(%dma_wait3A_136 : memref<1000000x128xf32, #tpu.memory_space<hbm>>) dst(%arg6 : memref<200x128xf32, #tpu.memory_space<vmem>>)
    %dma_wait3A_137 = arith.constant 0 : i32
    %dma_wait3A_138 = arith.constant 0 : i32
    %dma_wait3A_139 = arith.constant 0 : i32
    %dma_wait3A_140 = tpu.memref_slice %arg4[%dma_wait3A_137, %dma_wait3A_138, %dma_wait3A_139] : memref<4096x200x64xf32, #tpu.memory_space<hbm>> -> memref<1x200x64xf32, #tpu.memory_space<hbm>>
    %dma_wait3A_141 = tpu.memref_squeeze %dma_wait3A_140 : memref<1x200x64xf32, #tpu.memory_space<hbm>> -> memref<200x64xf32, #tpu.memory_space<hbm>>
    %dma_wait3A_142 = arith.constant 0 : i32
    %dma_wait3A_143 = arith.constant 0 : i32
    %dma_wait3A_144 = tpu.memref_slice %arg4[%dma_wait3A_137, %dma_wait3A_142, %dma_wait3A_143] : memref<4096x200x64xf32, #tpu.memory_space<hbm>> -> memref<1x200x64xf32, #tpu.memory_space<hbm>>
    %dma_wait3A_145 = tpu.memref_squeeze %dma_wait3A_144 : memref<1x200x64xf32, #tpu.memory_space<hbm>> -> memref<200x64xf32, #tpu.memory_space<hbm>>
    tpu.wait_dma2 semaphore(%arg16 : memref<!tpu.dma_semaphore, #tpu.memory_space<semaphore_mem>>) src(%arg14 : memref<200x64xf32, #tpu.memory_space<vmem>>) dst(%dma_wait3A_145 : memref<200x64xf32, #tpu.memory_space<hbm>>)
    %parallel_loop3A_146 = arith.constant 0 : i32
    %parallel_loop3A_147 = arith.constant 200 : i32
    %parallel_loop3A_148 = arith.constant 1 : i32
    scf.for %parallel_loop3A_177 = %parallel_loop3A_146 to %parallel_loop3A_147 step %parallel_loop3A_148  : i32 {
      %parallel_loop3A_178 = arith.index_cast %parallel_loop3A_177 : i32 to index
      %parallel_loop3A_179 = arith.constant 0 : index
      %parallel_loop3A_180 = tpu.vector_load %arg6[%parallel_loop3A_178, %parallel_loop3A_179] {strides = array<i32>} : memref<200x128xf32, #tpu.memory_space<vmem>>, vector<1x16xf32>,
      %parallel_loop3A_181 = vector.shape_cast %parallel_loop3A_180 : vector<1x16xf32> to vector<16xf32>
      %parallel_loop3A_182 = arith.constant 8.000000e+00 : f32
      %parallel_loop3A_183 = vector.broadcast %parallel_loop3A_182 : f32 to vector<16xf32>
      %parallel_loop3A_184 = arith.mulf %parallel_loop3A_181, %parallel_loop3A_183 : vector<16xf32>
      %parallel_loop3A_185 = arith.index_cast %parallel_loop3A_177 : i32 to index
      %parallel_loop3A_186 = arith.constant 0 : index
      %parallel_loop3A_187 = tpu.vector_load %arg14[%parallel_loop3A_185, %parallel_loop3A_186] {strides = array<i32>} : memref<200x64xf32, #tpu.memory_space<vmem>>, vector<1x16xf32>,
      %parallel_loop3A_188 = vector.shape_cast %parallel_loop3A_187 : vector<1x16xf32> to vector<16xf32>
      %parallel_loop3A_189 = vector.shape_cast %parallel_loop3A_184 : vector<16xf32> to vector<1x16xf32>
      tpu.vector_store %arg14[%parallel_loop3A_185, %parallel_loop3A_186], %parallel_loop3A_189 {strides = array<i32>} : memref<200x64xf32, #tpu.memory_space<vmem>>, vector<1x16xf32>,
      %parallel_loop3A_190 = arith.index_cast %parallel_loop3A_177 : i32 to index
      %parallel_loop3A_191 = arith.constant 16 : index
      %parallel_loop3A_192 = tpu.vector_load %arg6[%parallel_loop3A_190, %parallel_loop3A_191] {strides = array<i32>} : memref<200x128xf32, #tpu.memory_space<vmem>>, vector<1x16xf32>,
      %parallel_loop3A_193 = vector.shape_cast %parallel_loop3A_192 : vector<1x16xf32> to vector<16xf32>
      %parallel_loop3A_194 = arith.constant 8.000000e+00 : f32
      %parallel_loop3A_195 = vector.broadcast %parallel_loop3A_194 : f32 to vector<16xf32>
      %parallel_loop3A_196 = arith.mulf %parallel_loop3A_193, %parallel_loop3A_195 : vector<16xf32>
      %parallel_loop3A_197 = arith.index_cast %parallel_loop3A_177 : i32 to index
      %parallel_loop3A_198 = arith.constant 16 : index
      %parallel_loop3A_199 = tpu.vector_load %arg14[%parallel_loop3A_197, %parallel_loop3A_198] {strides = array<i32>} : memref<200x64xf32, #tpu.memory_space<vmem>>, vector<1x16xf32>,
      %parallel_loop3A_200 = vector.shape_cast %parallel_loop3A_199 : vector<1x16xf32> to vector<16xf32>
      %parallel_loop3A_201 = vector.shape_cast %parallel_loop3A_196 : vector<16xf32> to vector<1x16xf32>
      tpu.vector_store %arg14[%parallel_loop3A_197, %parallel_loop3A_198], %parallel_loop3A_201 {strides = array<i32>} : memref<200x64xf32, #tpu.memory_space<vmem>>, vector<1x16xf32>,
      %parallel_loop3A_202 = arith.index_cast %parallel_loop3A_177 : i32 to index
      %parallel_loop3A_203 = arith.constant 32 : index
      %parallel_loop3A_204 = tpu.vector_load %arg6[%parallel_loop3A_202, %parallel_loop3A_203] {strides = array<i32>} : memref<200x128xf32, #tpu.memory_space<vmem>>, vector<1x16xf32>,
      %parallel_loop3A_205 = vector.shape_cast %parallel_loop3A_204 : vector<1x16xf32> to vector<16xf32>
      %parallel_loop3A_206 = arith.constant 8.000000e+00 : f32
      %parallel_loop3A_207 = vector.broadcast %parallel_loop3A_206 : f32 to vector<16xf32>
      %parallel_loop3A_208 = arith.mulf %parallel_loop3A_205, %parallel_loop3A_207 : vector<16xf32>
      %parallel_loop3A_209 = arith.index_cast %parallel_loop3A_177 : i32 to index
      %parallel_loop3A_210 = arith.constant 32 : index
      %parallel_loop3A_211 = tpu.vector_load %arg14[%parallel_loop3A_209, %parallel_loop3A_210] {strides = array<i32>} : memref<200x64xf32, #tpu.memory_space<vmem>>, vector<1x16xf32>,
      %parallel_loop3A_212 = vector.shape_cast %parallel_loop3A_211 : vector<1x16xf32> to vector<16xf32>
      %parallel_loop3A_213 = vector.shape_cast %parallel_loop3A_208 : vector<16xf32> to vector<1x16xf32>
      tpu.vector_store %arg14[%parallel_loop3A_209, %parallel_loop3A_210], %parallel_loop3A_213 {strides = array<i32>} : memref<200x64xf32, #tpu.memory_space<vmem>>, vector<1x16xf32>,
      %parallel_loop3A_214 = arith.index_cast %parallel_loop3A_177 : i32 to index
      %parallel_loop3A_215 = arith.constant 48 : index
      %parallel_loop3A_216 = tpu.vector_load %arg6[%parallel_loop3A_214, %parallel_loop3A_215] {strides = array<i32>} : memref<200x128xf32, #tpu.memory_space<vmem>>, vector<1x16xf32>,
      %parallel_loop3A_217 = vector.shape_cast %parallel_loop3A_216 : vector<1x16xf32> to vector<16xf32>
      %parallel_loop3A_218 = arith.constant 8.000000e+00 : f32
      %parallel_loop3A_219 = vector.broadcast %parallel_loop3A_218 : f32 to vector<16xf32>
      %parallel_loop3A_220 = arith.mulf %parallel_loop3A_217, %parallel_loop3A_219 : vector<16xf32>
      %parallel_loop3A_221 = arith.index_cast %parallel_loop3A_177 : i32 to index
      %parallel_loop3A_222 = arith.constant 48 : index
      %parallel_loop3A_223 = tpu.vector_load %arg14[%parallel_loop3A_221, %parallel_loop3A_222] {strides = array<i32>} : memref<200x64xf32, #tpu.memory_space<vmem>>, vector<1x16xf32>,
      %parallel_loop3A_224 = vector.shape_cast %parallel_loop3A_223 : vector<1x16xf32> to vector<16xf32>
      %parallel_loop3A_225 = vector.shape_cast %parallel_loop3A_220 : vector<16xf32> to vector<1x16xf32>
      tpu.vector_store %arg14[%parallel_loop3A_221, %parallel_loop3A_222], %parallel_loop3A_225 {strides = array<i32>} : memref<200x64xf32, #tpu.memory_space<vmem>>, vector<1x16xf32>,
    } {sc.loop_unroll_factor = 8 : i64, sc.parallel_access}
    %add3A_149 = arith.constant 127 : i32
    %add3A_150 = arith.addi %mul3A_2, %add3A_149 : i32
    %dma_start3A_151 = arith.constant 0 : i32
    %dma_start3A_152 = arith.constant 0 : i32
    %dma_start3A_153 = tpu.memref_slice %arg4[%add3A_150, %dma_start3A_151, %dma_start3A_152] : memref<4096x200x64xf32, #tpu.memory_space<hbm>> -> memref<1x200x64xf32, #tpu.memory_space<hbm>>
    %dma_start3A_154 = tpu.memref_squeeze %dma_start3A_153 : memref<1x200x64xf32, #tpu.memory_space<hbm>> -> memref<200x64xf32, #tpu.memory_space<hbm>>
    %dma_start3A_155 = arith.constant 0 : i32
    %dma_start3A_156 = arith.constant 0 : i32
    %dma_start3A_157 = tpu.memref_slice %arg4[%add3A_150, %dma_start3A_155, %dma_start3A_156] : memref<4096x200x64xf32, #tpu.memory_space<hbm>> -> memref<1x200x64xf32, #tpu.memory_space<hbm>>
    %dma_start3A_158 = tpu.memref_squeeze %dma_start3A_157 : memref<1x200x64xf32, #tpu.memory_space<hbm>> -> memref<200x64xf32, #tpu.memory_space<hbm>>
    tpu.enqueue_dma source(%arg14 : memref<200x64xf32, #tpu.memory_space<vmem>>) target(%dma_start3A_158 : memref<200x64xf32, #tpu.memory_space<hbm>>) target_semaphore(%arg16 : memref<!tpu.dma_semaphore, #tpu.memory_space<semaphore_mem>>)
    %dma_wait3A_159 = arith.constant 0 : i32
    %dma_wait3A_160 = arith.constant 0 : i32
    %dma_wait3A_161 = arith.constant 0 : i32
    %dma_wait3A_162 = tpu.memref_slice %arg4[%dma_wait3A_159, %dma_wait3A_160, %dma_wait3A_161] : memref<4096x200x64xf32, #tpu.memory_space<hbm>> -> memref<1x200x64xf32, #tpu.memory_space<hbm>>
    %dma_wait3A_163 = tpu.memref_squeeze %dma_wait3A_162 : memref<1x200x64xf32, #tpu.memory_space<hbm>> -> memref<200x64xf32, #tpu.memory_space<hbm>>
    %dma_wait3A_164 = arith.constant 0 : i32
    %dma_wait3A_165 = arith.constant 0 : i32
    %dma_wait3A_166 = tpu.memref_slice %arg4[%dma_wait3A_159, %dma_wait3A_164, %dma_wait3A_165] : memref<4096x200x64xf32, #tpu.memory_space<hbm>> -> memref<1x200x64xf32, #tpu.memory_space<hbm>>
    %dma_wait3A_167 = tpu.memref_squeeze %dma_wait3A_166 : memref<1x200x64xf32, #tpu.memory_space<hbm>> -> memref<200x64xf32, #tpu.memory_space<hbm>>
    tpu.wait_dma2 semaphore(%arg15 : memref<!tpu.dma_semaphore, #tpu.memory_space<semaphore_mem>>) src(%arg13 : memref<200x64xf32, #tpu.memory_space<vmem>>) dst(%dma_wait3A_167 : memref<200x64xf32, #tpu.memory_space<hbm>>)
    %dma_wait3A_168 = arith.constant 0 : i32
    %dma_wait3A_169 = arith.constant 0 : i32
    %dma_wait3A_170 = arith.constant 0 : i32
    %dma_wait3A_171 = tpu.memref_slice %arg4[%dma_wait3A_168, %dma_wait3A_169, %dma_wait3A_170] : memref<4096x200x64xf32, #tpu.memory_space<hbm>> -> memref<1x200x64xf32, #tpu.memory_space<hbm>>
    %dma_wait3A_172 = tpu.memref_squeeze %dma_wait3A_171 : memref<1x200x64xf32, #tpu.memory_space<hbm>> -> memref<200x64xf32, #tpu.memory_space<hbm>>
    %dma_wait3A_173 = arith.constant 0 : i32
    %dma_wait3A_174 = arith.constant 0 : i32
    %dma_wait3A_175 = tpu.memref_slice %arg4[%dma_wait3A_168, %dma_wait3A_173, %dma_wait3A_174] : memref<4096x200x64xf32, #tpu.memory_space<hbm>> -> memref<1x200x64xf32, #tpu.memory_space<hbm>>
    %dma_wait3A_176 = tpu.memref_squeeze %dma_wait3A_175 : memref<1x200x64xf32, #tpu.memory_space<hbm>> -> memref<200x64xf32, #tpu.memory_space<hbm>>
    tpu.wait_dma2 semaphore(%arg16 : memref<!tpu.dma_semaphore, #tpu.memory_space<semaphore_mem>>) src(%arg14 : memref<200x64xf32, #tpu.memory_space<vmem>>) dst(%dma_wait3A_176 : memref<200x64xf32, #tpu.memory_space<hbm>>)
    return
  }
}

</mosaic_0001>

<sc_bundles>
// kernel: kernel.3.cloned.1.call-start
scs
__scs_entry_jumppad:
0x0: {  	(pc) =	sbr.rel $0x88, $3  }
0x1: {  	(tag) =	ssettag $0x0;
	lr =	simm.s32 $0x1  }
0x2: {  	[smem:$0x3F9F] =	sst lr;
	_ =	strace $0xD0000000  }
0x3: {  	_ = 	snop  }
0x4: {  	_ = 	snop  }
0x5: {  	_ = 	snop  }
0x6: {  	_ = 	snop  }
0x7: {  	_ = 	snop  }
__scs_overlays_trampoline_lowered:
0x8: {  	[smem:$0x3FAE] =	sst s0  }
0x9: {  	[smem:$0x3FAF] =	sst s1  }
0xa: {  	[smem:$0x3FB0] =	sst s2  }
0xb: {  	[smem:$0x3FB1] =	sst s3  }
0xc: {  	[smem:$0x3FB2] =	sst s4  }
0xd: {  	[smem:$0x3FB3] =	sst s5  }
0xe: {  	[smem:$0x3FB4] =	sst s6  }
0xf: {  	[smem:$0x3FB5] =	sst s7  }
0x10: {  	[smem:$0x3FB6] =	sst s8  }
0x11: {  	[smem:$0x3FB7] =	sst s9;
	s0 =	simm.s32 @!p0 $0x0  }
0x12: {  	s1 =	sld [smem:$0x3F9D];
	s0 =	simm.s32 @p0 $0x1  }
0x13: {  	[smem:$0x3FB8] =	sst s0;
	s0 =	simm.s32 @!p1 $0x0  }
0x14: {  	s2 =	sld [smem:$0x3F9C];
	s0 =	simm.s32 @p1 $0x1  }
0x15: {  	[smem:$0x3FB9] =	sst s0;
	s0 =	simm.s32 @!p2 $0x0  }
0x16: {  	s3 =	sld [smem:$0x3FDB];
	s0 =	simm.s32 @p2 $0x1  }
0x17: {  	s4 =	simm.s32 $0x1BF5;
	[smem:$0x3FBB] =	sst s0  }
0x18: {  	s0 =	sld [smem:$0x3F9E];
	_ =	swait.ge [sflag:s4], $0x0  }
0x19: {  	s7 =	sld [smem:$0x3F9F]  }
0x1a: {  	s8 =	sadd.s32 $0xFFFFE003, lr  }
0x1b: {  	s9 =	sadd.s32 $0xFFFFFEF7, lr;
	s5 =	simm.s32 $0xFFFFFFFF;
	p2 =	slt.u32 s8, $0xFFFFF086  }
0x1c: {  	p1 =	slt.u32 s9, $0xF7A;
	s5 =	simm.s32 @!p2 $0x0  }
0x1d: {  	s5 =	simm.s32 @p1 $0x1;
	p0 =	seq.s32 s7, s2  }
0x1e: {  	s7 =	smul.u32 @!p0 $0xF7A, s2;
	p2 =	seq.s32 @!p0 s5, $0x0  }
0x1f: {  	s9 =	smul.u32 $0xF7A, s1;
	s8 =	simm.s32 @!p0 $0x1BF5;
	p2 =	por !p2, p0  }
0x20: {  	[sflag:s8] =	ssyncset.s32 @!p0 $0xFFFFF086;
	s6 =	sadd.s32 @!p0 s3, s7;
	s7 =	simm.s32 @!p0 $0x108  }
0x21: {  	s3 =	sadd.s32 s3, s9;
	s6 =	sadd.s32 @!p0 $0x88, s6;
	s7 =	simm.s32 @p2 $0x1082  }
0x22: {  	[simem:s7], [sflag:s8] =	dma.local @!p0 [hbm:s6], $0xF7A  }
0x23: {  	s9 =	sor.u32 $0xD0000000, s2;
	s6 =	simm.s32 $0x108;
	_ =	swait.ge @!p0 [sflag:s8], $0x0  }
0x24: {  	s3 =	sadd.s32 $0x88, s3;
	s6 =	simm.s32 @!p1 $0x1082;
	[sflag:s4] =	ssyncset.s32 $0xFFFFF086  }
0x25: {  	[simem:s6], [sflag:s4] =	dma.local [hbm:s3], $0xF7A  }
0x26: {  	[smem:$0x3F9F] =	sst s1;
	(tag) =	ssettag s2;
	_ =	strace s9  }
0x27: {  	s1 =	sld [smem:$0x3FAF]  }
0x28: {  	s2 =	sld [smem:$0x3FB0]  }
0x29: {  	s4 =	sld [smem:$0x3FB2]  }
0x2a: {  	p0 =	seq.s32 s5, $0x0;
	s5 =	sld [smem:$0x3FB3]  }
0x2b: {  	s6 =	sld [smem:$0x3FB4]  }
0x2c: {  	s7 =	sld [smem:$0x3FB5]  }
0x2d: {  	s3 =	simm.s32 $0x108;
	s8 =	sld [smem:$0x3FB6]  }
0x2e: {  	s3 =	simm.s32 @!p0 $0x1082;
	s9 =	sld [smem:$0x3FB7]  }
0x2f: {  	lr =	sadd.s32 s0, s3;
	s0 =	sld [smem:$0x3FAE]  }
0x30: {  	s3 =	sld [smem:$0x3FB1]  }
0x31: {  	[smem:$0x3FBA] =	sst s10  }
0x32: {  	s10 =	sld [smem:$0x3FB8];
	_ =	sdelay $0x3  }
0x33: {  	p0 =	seq.s32 s10, $0x1;
	s10 =	sld [smem:$0x3FBA];
	_ =	sdelay $0x3  }
0x34: {  	[smem:$0x3FBA] =	sst s10  }
0x35: {  	s10 =	sld [smem:$0x3FB9];
	_ =	sdelay $0x3  }
0x36: {  	p1 =	seq.s32 s10, $0x1;
	s10 =	sld [smem:$0x3FBA];
	_ =	sdelay $0x3  }
0x37: {  	[smem:$0x3FBA] =	sst s10  }
0x38: {  	s10 =	sld [smem:$0x3FBB]  }
0x39: {  	_ = 	snop;
	(pc) =	sbr.ind lr, $3  }
0x3a: {  	_ = 	snop  }
0x3b: {  	_ = 	snop  }
0x3c: {  	p2 =	seq.s32 s10, $0x1;
	s10 =	sld [smem:$0x3FBA]  }
0x3d: {  	_ =	shalt  }
0x3e: {  	_ =	shalt  }
0x3f: {  	_ =	shalt  }
0x40: {  	_ =	shalt  }
0x41: {  	_ =	shalt  }
0x42: {  	_ =	shalt  }
0x43: {  	_ =	shalt  }
0x44: {  	_ =	shalt  }
0x45: {  	_ =	shalt  }
0x46: {  	_ =	shalt  }
0x47: {  	_ =	shalt  }
0x48: {  	_ =	shalt  }
0x49: {  	_ =	shalt  }
0x4a: {  	_ =	shalt  }
0x4b: {  	_ =	shalt  }
0x4c: {  	_ =	shalt  }
0x4d: {  	_ =	shalt  }
0x4e: {  	_ =	shalt  }
0x4f: {  	_ =	shalt  }
0x50: {  	_ =	shalt  }
0x51: {  	_ =	shalt  }
0x52: {  	_ =	shalt  }
0x53: {  	_ =	shalt  }
0x54: {  	_ =	shalt  }
0x55: {  	_ =	shalt  }
0x56: {  	_ =	shalt  }
0x57: {  	_ =	shalt  }
0x58: {  	_ =	shalt  }
0x59: {  	_ =	shalt  }
0x5a: {  	_ =	shalt  }
0x5b: {  	_ =	shalt  }
0x5c: {  	_ =	shalt  }
0x5d: {  	_ =	shalt  }
0x5e: {  	_ =	shalt  }
0x5f: {  	_ =	shalt  }
0x60: {  	_ =	shalt  }
0x61: {  	_ =	shalt  }
0x62: {  	_ =	shalt  }
0x63: {  	_ =	shalt  }
0x64: {  	_ =	shalt  }
0x65: {  	_ =	shalt  }
0x66: {  	_ =	shalt  }
0x67: {  	_ =	shalt  }
0x68: {  	_ =	shalt  }
0x69: {  	_ =	shalt  }
0x6a: {  	_ =	shalt  }
0x6b: {  	_ =	shalt  }
0x6c: {  	_ =	shalt  }
0x6d: {  	_ =	shalt  }
0x6e: {  	_ =	shalt  }
0x6f: {  	_ =	shalt  }
0x70: {  	_ =	shalt  }
0x71: {  	_ =	shalt  }
0x72: {  	_ =	shalt  }
0x73: {  	_ =	shalt  }
0x74: {  	_ =	shalt  }
0x75: {  	_ =	shalt  }
0x76: {  	_ =	shalt  }
0x77: {  	_ =	shalt  }
0x78: {  	_ =	shalt  }
0x79: {  	_ =	shalt  }
0x7a: {  	_ =	shalt  }
0x7b: {  	_ =	shalt  }
0x7c: {  	_ =	shalt  }
0x7d: {  	_ =	shalt  }
0x7e: {  	_ =	shalt  }
0x7f: {  	_ =	shalt  }
0x80: {  	_ =	shalt  }
0x81: {  	_ =	shalt  }
0x82: {  	_ =	shalt  }
0x83: {  	_ =	shalt  }
0x84: {  	_ =	shalt  }
0x85: {  	_ =	shalt  }
0x86: {  	_ =	shalt  }
0x87: {  	_ =	shalt  }
.Lfunc_end0:
.L_simem_size_0:
called_computation_lowered:
.L_overlay_start_0:
0x88: {  	s2 =	sld [smem:$0x3FD9]  }
0x89: {  	s3 =	sld [smem:$0x3FFE];
	_ =	sdelay $0x1  }
0x8a: {  	s1 =	srdreg.scid  }
0x8b: {  	s0 =	sand.u32 $0x1, s1  }
0x8c: {  	s17 =	sshll.u32 s0, $0xA;
	s2 =	sadd.s32 s3, s2  }
0x8d: {  	s2 =	sadd.s32 s2, s17  }
0x8e: {  	[smem:$0x3FC6] =	sst s2  }
0x8f: {  	_ = 	snop  }
0x90: {  	s2 =	sld [smem:$0x3FD0];
	(tm) =	ssettm $0x1  }
0x91: {  	s18 =	sld [smem:$0x3FFB];
	_ =	sdelay $0x3  }
0x92: {  	_ =	strace s18  }
0x93: {  	s3 =	sld [smem:$0x3FFC];
	_ =	sdelay $0x3  }
0x94: {  	_ =	strace s3  }
0x95: {  	s3 =	sld [smem:$0x3FFD];
	_ =	sdelay $0x3  }
0x96: {  	_ =	strace s3  }
0x97: {  	_ =	strace $0x8FFFFFFF  }
0x98: {  	s19 =	sld [smem:$0x3FDB];
	_ =	sdelay $0x1  }
0x99: {  	s4 =	simm.s32 $_scs_section_size  }
0x9a: {  	s5 =	simm.s32 $_size__tile_overlayer_lowered;
	s6 =	simm.s32 $_tile_overlayer_lowered  }
0x9b: {  	s22 =	simm.s32 $0x1BFF;
	s21 =	sshll.u32 s6, $0x1;
	s3 =	sadd.s32 s4, s19  }
0x9c: {  	s7 =	simm.s32 $0x0;
	s20 =	sshll.u32 s5, $0x1;
	s5 =	sadd.s32 s21, s3  }
0x9d: {  	[timem:s7], [sflag:s22] =	dma.local [hbm:s5], s20  }
0x9e: {  	_ =	swait.ge [sflag:s22], s20  }
0x9f: {  	s4 =	ssub.s32 $0x0, s20;
	[sflag:s22] =	ssyncset.done $0x0  }
0xa0: {  	[sflag:s22] =	ssyncadd.s32 s4;
	_ =	sdelay $0x1  }
0xa1: {  	s23 =	simm.s32 $0x1B8B  }
0xa2: {  	_ =	swait.ge [sflag:s23], $0x1  }
0xa3: {  	[sflag:s23] =	ssyncset.done $0x0  }
0xa4: {  	s25 =	simm.s32 $0x1B8E;
	s24 =	sld [smem:$0x3FFE];
	[sflag:s23] =	ssyncadd.s32 $0xFFFFFFFF  }
0xa5: {  	s26 =	simm.s32 $execute0_lowered;
	[smem:$0x3FD2] =	sst s25  }
0xa6: {  	s5 =	sshll.u32 s26, $0x1;
	_ =	strace $0x80000046;
	[dreg:$0x1] =	wrdreg $0xFFFFFFFF  }
0xa7: {  	s28 =	simm.s32 $_size_execute0_lowered;
	s3 =	sadd.s32 s3, s5;
	[dreg:$0x0] =	wrdreg $0x0  }
0xa8: {  	s5 =	sshll.u32 s28, $0x1;
	[dreg:$0x2] =	wrdreg s3  }
0xa9: {  	[dreg:$0x3] =	wrdreg s5  }
0xaa: {  	[dreg:$0x4] =	wrdreg $0xC0  }
0xab: {  	_ =	task [dreg:s7], $0x5FFFF  }
0xac: {  	[dreg:$0x1] =	wrdreg $0xFFFFFFFF  }
0xad: {  	[dreg:$0x0] =	wrdreg $0x60  }
0xae: {  	[dreg:$0x2] =	wrdreg s2  }
0xaf: {  	[dreg:$0x3] =	wrdreg s24  }
0xb0: {  	[dreg:$0x4] =	wrdreg $0x9  }
0xb1: {  	_ =	task.clear_ibuf [dreg:s7], $0x5FFFF;
	_ =	strace $0x90000046  }
0xb2: {  	s29 =	simm.s32 $0x9;
	_ =	strace $0x80000048  }
0xb3: {  	_ =	swait.ge [sflag:s29], $0x1  }
0xb4: {  	[sflag:s29] =	ssyncadd.s32 $0xFFFFFFFF  }
0xb5: {  	_ =	strace $0x90000048  }
0xb6: {  	_ =	sfence  }
0xb7: {  	s30 =	sld [smem:$0x0];
	_ =	sdelay $0x2  }
0xb8: {  	s31 =	sshll.u32 s1, $0xD;
	s1 =	sshrl.u32 s1, $0x2  }
0xb9: {  	s3 =	sand.u32 $0x4000, s31;
	s1 =	sadd.s32 s1, s30  }
0xba: {  	s0 =	sor.u32 s3, s0;
	s1 =	sshll.u32 s1, $0x11  }
0xbb: {  	s0 =	sor.u32 s1, s0  }
0xbc: {  	s0 =	sadd.s32 $0x8F2B, s0  }
0xbd: {  	[sflag:s0] =	ssyncadd.remote.s32 $0x1  }
0xbe: {  	_ =	sfence.sel $0xFFFF  }
0xbf: {  	[dreg:$0x0] =	wrdreg $0xFFFFFFFF;
	(pc) =	sbr.abs _section_cstart, $3  }
0xc0: {  	[dreg:$0x1] =	wrdreg $0xFFFFFFFF  }
0xc1: {  	_ =	task.clear_ibuf [dreg:s7], $0x2FFFF;
	_ =	strace $0x9FFFFFFF  }
0xc2: {  	(tm) =	ssettm $0x7FFFFFFF  }
0xc3: {  	_ =	shalt  }
tec
execute0_lowered:
.L_overlay_start_1:
0x0: {  	(tag) =	ssettag $0x1  }
0x1: {  	s1 =	rddreg [dreg:$0x0]  }
0x2: {  	s0 =	rddreg [dreg:$0x1];
	s2 =	srdreg.scid  }
0x3: {  	s3 =	simm.s32 $0x0;
	s4 =	stileid.u32;
	s16 =	simm.s32 $0x80  }
0x4: {  	s17 =	simm.s32 $0x400;
	s18 =	simm.s32 $0xC800;
	s19 =	simm.s32 $0xC900  }
0x5: {  	s20 =	simm.s32 $0x3;
	s21 =	simm.s32 $0xC8;
	s28 =	simm.s32 $0x12E00  }
0x6: {  	s29 =	simm.s32 $0x5;
	s30 =	simm.s32 $0x6;
	s31 =	simm.s32 $0x0  }
0x7: {  	s2 =	sand.u32 $0x1, s2;
	[smem:$0x7FF] =	sst s3;
	s5 =	sshll.u32 s4, $0x8  }
0x8: {  	s4 =	sadd.s32 $0xF42A00, s0;
	s7 =	sadd.s32 $0x600, s0;
	s6 =	sshll.u32 s2, $0x7  }
0x9: {  	_ =	strace $0x80000047;
	s2 =	ssub.s32 $0x2, s2;
	s5 =	sor.u32 s6, s5  }
0xa: {  	s9 =	sshrl.u32 s2, $0x1;
	s6 =	sshll.u32 s5, $0x5;
	s8 =	smul.u32 $0xC80, s5  }
0xb: {  	s11 =	smul.u32 $0x6400, s5;
	s22 =	ssub.s32 s2, s9;
	s6 =	sadd.s32 s1, s6  }
0xc: {  	s15 =	smax.u32 s22, $0x1;
	s22 =	simm.s32 $0x4;
	s23 =	sadd.s32 $0x10, s6  }
0xd: {  	s24 =	sadd.s32 $0x20, s6;
	s10 =	sadd.s32 s7, s8;
	[dreg:$0x3] =	wrdreg s23  }
0xe: {  	s25 =	sshrl.u32 s11, $0x3;
	s26 =	sadd.s32 $0x30, s6;
	[dreg:$0x4] =	wrdreg s24  }
0xf: {  	[dreg:$0x5] =	wrdreg s26;
	s12 =	sadd.s32 $0xC80, s10;
	s2 =	sadd.s32 s7, s25  }
0x10: {  	s23 =	simm.s32 $0x6400;
	s24 =	simm.s32 $0x1;
	s25 =	simm.s32 $0xCA00  }
0x11: {  	s26 =	simm.s32 $0x2;
	s13 =	sadd.s32 $0x62700, s2;
	s14 =	sadd.s32 $0x63380, s2  }
.LBB2_1:
0x12: {  	[tilespmem:s18], [sflag:$0x3] =	stream.strided.gather [hbm4b:s6+s16], $0x100, s17, s16, $0x38;
	[tilespmem:$0x19200] =	vst v63  }
0x13: {  	s0 =	rddreg [dreg:$0x3]  }
0x14: {  	[tilespmem:s19], [sflag:$0x4] =	stream.strided.gather [hbm4b:s0+s16], $0x100, s17, s16, $0x38;
	[tilespmem:$0x19200] =	vst v63  }
0x15: {  	_ =	swait.ge [sflag:s20], $0x100  }
0x16: {  	[sflag:s20] =	ssyncset.done $0x0  }
0x17: {  	[sflag:s20] =	ssyncadd.s32 $0xFFFFFF00  }
0x18: {  	[tilespmem:s3], [sflag:$0x1] =	stream.indirect.gather [hbm4b:s4+s21], $0x80, s18, s21, $0xb8;
	[tilespmem:$0x19200] =	vst v63  }
0x19: {  	_ =	swait.ge [sflag:s22], $0x100  }
0x1a: {  	[sflag:s22] =	ssyncset.done $0x0  }
0x1b: {  	[sflag:s22] =	ssyncadd.s32 $0xFFFFFF00  }
0x1c: {  	[tilespmem:s23], [sflag:$0x2] =	stream.indirect.gather [hbm4b:s4+s21], $0x80, s19, s21, $0xb8;
	[tilespmem:$0x19200] =	vst v63  }
0x1d: {  	_ =	swait.ge [sflag:s24], $0x6400  }
0x1e: {  	[sflag:s24] =	ssyncset.done $0x0  }
0x1f: {  	s8 =	simm.s32 $0x200;
	s11 =	rddreg [dreg:$0x4];
	[sflag:s24] =	ssyncadd.s32 $0xFFFF9C00  }
0x20: {  	[tilespmem:s18], [sflag:$0x3] =	stream.strided.gather [hbm4b:s11+s16], $0x100, s17, s16, $0x38;
	[tilespmem:$0x19200] =	vst v63  }
0x21: {  	v0 =	vld [tilespmem:s8+$0x180]  }
0x22: {  	v1 =	vld [tilespmem:s8+$0xFFFFFE80]  }
0x23: {  	v2 =	vld [tilespmem:s8+$0xFFFFFF00]  }
0x24: {  	v3 =	vld [tilespmem:s8+$0xFFFFFF80]  }
0x25: {  	v4 =	vld [tilespmem:s8+$0x0]  }
0x26: {  	v5 =	vld [tilespmem:s8+$0x80];
	v0 =	vmul.f32 $8.000000000e+00, v0  }
0x27: {  	s0 =	simm.s32 $0xCC00;
	v6 =	vld [tilespmem:s8+$0x100];
	v1 =	vmul.f32 $8.000000000e+00, v1  }
0x28: {  	v7 =	vld [tilespmem:s8+$0xFFFFFE00];
	v2 =	vmul.f32 $8.000000000e+00, v2;
	[tilespmem:s0+$0x180] =	vst v0  }
0x29: {  	[tilespmem:s0+$0xFFFFFE80] =	vst v1;
	v0 =	vmul.f32 $8.000000000e+00, v3;
	v1 =	vld [tilespmem:s8+$0x190]  }
0x2a: {  	[tilespmem:s0+$0xFFFFFF00] =	vst v2;
	v2 =	vmul.f32 $8.000000000e+00, v4;
	v3 =	vld [tilespmem:s8+$0xFFFFFE90]  }
0x2b: {  	v4 =	vld [tilespmem:s8+$0xFFFFFF10];
	[tilespmem:s0+$0xFFFFFF80] =	vst v0;
	v0 =	vmul.f32 $8.000000000e+00, v5  }
0x2c: {  	[tilespmem:s0+$0x0] =	vst v2;
	v2 =	vmul.f32 $8.000000000e+00, v6;
	v5 =	vld [tilespmem:s8+$0xFFFFFF90]  }
0x2d: {  	v6 =	vmul.f32 $8.000000000e+00, v7;
	v7 =	vld [tilespmem:s8+$0x10];
	[tilespmem:s0+$0x80] =	vst v0  }
0x2e: {  	[tilespmem:s0+$0x100] =	vst v2;
	v0 =	vld [tilespmem:s8+$0x90];
	v1 =	vmul.f32 $8.000000000e+00, v1  }
0x2f: {  	[tilespmem:s0+$0xFFFFFE00] =	vst v6;
	v2 =	vmul.f32 $8.000000000e+00, v3;
	v3 =	vld [tilespmem:s8+$0x110]  }
0x30: {  	v6 =	vld [tilespmem:s8+$0xFFFFFE10];
	v4 =	vmul.f32 $8.000000000e+00, v4;
	[tilespmem:s0+$0x190] =	vst v1  }
0x31: {  	[tilespmem:s0+$0xFFFFFE90] =	vst v2;
	v1 =	vmul.f32 $8.000000000e+00, v5;
	v2 =	vld [tilespmem:s8+$0x1A0]  }
0x32: {  	[tilespmem:s0+$0xFFFFFF10] =	vst v4;
	v4 =	vmul.f32 $8.000000000e+00, v7;
	v5 =	vld [tilespmem:s8+$0xFFFFFEA0]  }
0x33: {  	v7 =	vld [tilespmem:s8+$0xFFFFFF20];
	[tilespmem:s0+$0xFFFFFF90] =	vst v1;
	v0 =	vmul.f32 $8.000000000e+00, v0  }
0x34: {  	[tilespmem:s0+$0x10] =	vst v4;
	v1 =	vld [tilespmem:s8+$0xFFFFFFA0];
	v3 =	vmul.f32 $8.000000000e+00, v3  }
0x35: {  	v4 =	vmul.f32 $8.000000000e+00, v6;
	v6 =	vld [tilespmem:s8+$0x20];
	[tilespmem:s0+$0x90] =	vst v0  }
0x36: {  	v0 =	vld [tilespmem:s8+$0xA0];
	[tilespmem:s0+$0x110] =	vst v3;
	v2 =	vmul.f32 $8.000000000e+00, v2  }
0x37: {  	[tilespmem:s0+$0xFFFFFE10] =	vst v4;
	v3 =	vmul.f32 $8.000000000e+00, v5;
	v4 =	vld [tilespmem:s8+$0x120]  }
0x38: {  	v5 =	vld [tilespmem:s8+$0xFFFFFE20];
	v7 =	vmul.f32 $8.000000000e+00, v7;
	[tilespmem:s0+$0x1A0] =	vst v2  }
0x39: {  	[tilespmem:s0+$0xFFFFFEA0] =	vst v3;
	v1 =	vmul.f32 $8.000000000e+00, v1;
	v3 =	vld [tilespmem:s8+$0x1B0]  }
0x3a: {  	[tilespmem:s0+$0xFFFFFF20] =	vst v7;
	v2 =	vmul.f32 $8.000000000e+00, v6;
	v8 =	vld [tilespmem:s8+$0xFFFFFEB0]  }
0x3b: {  	v7 =	vld [tilespmem:s8+$0xFFFFFF30];
	[tilespmem:s0+$0xFFFFFFA0] =	vst v1;
	v1 =	vmul.f32 $8.000000000e+00, v0  }
0x3c: {  	[tilespmem:s0+$0x20] =	vst v2;
	v0 =	vld [tilespmem:s8+$0xFFFFFFB0];
	v4 =	vmul.f32 $8.000000000e+00, v4  }
0x3d: {  	v5 =	vmul.f32 $8.000000000e+00, v5;
	v2 =	vld [tilespmem:s8+$0x30];
	[tilespmem:s0+$0xA0] =	vst v1  }
0x3e: {  	v1 =	vld [tilespmem:s8+$0xB0];
	[tilespmem:s0+$0x120] =	vst v4;
	v9 =	vmul.f32 $8.000000000e+00, v3  }
0x3f: {  	[tilespmem:s0+$0xFFFFFE20] =	vst v5;
	v3 =	vld [tilespmem:s8+$0x130];
	v6 =	vmul.f32 $8.000000000e+00, v8  }
0x40: {  	s2 =	simm.s32 $0x0;
	v4 =	vld [tilespmem:s8+$0xFFFFFE30];
	v5 =	vmul.f32 $8.000000000e+00, v7;
	s8 =	simm.s32 $0x600;
	[tilespmem:s0+$0x1B0] =	vst v9  }
.LBB2_2:
0x41: {  	v7 =	vld [tilespmem:s8+$0x180];
	s2 =	sadd.s32 $0x8, s2;
	[tilespmem:s0+$0xFFFFFEB0] =	vst v6;
	v0 =	vmul.f32 $8.000000000e+00, v0  }
0x42: {  	v6 =	vld [tilespmem:s8+$0xFFFFFE80];
	p0 =	slt.u32 s2, $0xC0;
	[tilespmem:s0+$0xFFFFFF30] =	vst v5;
	v2 =	vmul.f32 $8.000000000e+00, v2  }
0x43: {  	v5 =	vld [tilespmem:s8+$0xFFFFFF00];
	[tilespmem:s0+$0xFFFFFFB0] =	vst v0;
	v0 =	vmul.f32 $8.000000000e+00, v1  }
0x44: {  	v1 =	vld [tilespmem:s8+$0xFFFFFF80];
	[tilespmem:s0+$0x30] =	vst v2;
	v2 =	vmul.f32 $8.000000000e+00, v3  }
0x45: {  	v3 =	vld [tilespmem:s8+$0x0];
	v4 =	vmul.f32 $8.000000000e+00, v4;
	[tilespmem:s0+$0xB0] =	vst v0  }
0x46: {  	v0 =	vld [tilespmem:s8+$0x80];
	v7 =	vmul.f32 $8.000000000e+00, v7;
	[tilespmem:s0+$0x130] =	vst v2  }
0x47: {  	v2 =	vmul.f32 $8.000000000e+00, v6;
	v6 =	vld [tilespmem:s8+$0x100];
	[tilespmem:s0+$0xFFFFFE30] =	vst v4;
	s0 =	sadd.s32 $0x400, s0  }
0x48: {  	v4 =	vld [tilespmem:s8+$0xFFFFFE00];
	v5 =	vmul.f32 $8.000000000e+00, v5;
	[tilespmem:s0+$0x180] =	vst v7  }
0x49: {  	[tilespmem:s0+$0xFFFFFE80] =	vst v2;
	v1 =	vmul.f32 $8.000000000e+00, v1;
	v2 =	vld [tilespmem:s8+$0x190]  }
0x4a: {  	v7 =	vld [tilespmem:s8+$0xFFFFFE90];
	[tilespmem:s0+$0xFFFFFF00] =	vst v5;
	v3 =	vmul.f32 $8.000000000e+00, v3  }
0x4b: {  	v5 =	vld [tilespmem:s8+$0xFFFFFF10];
	[tilespmem:s0+$0xFFFFFF80] =	vst v1;
	v0 =	vmul.f32 $8.000000000e+00, v0  }
0x4c: {  	v1 =	vld [tilespmem:s8+$0xFFFFFF90];
	[tilespmem:s0+$0x0] =	vst v3;
	v3 =	vmul.f32 $8.000000000e+00, v6  }
0x4d: {  	v4 =	vmul.f32 $8.000000000e+00, v4;
	v6 =	vld [tilespmem:s8+$0x10];
	[tilespmem:s0+$0x80] =	vst v0  }
0x4e: {  	v0 =	vld [tilespmem:s8+$0x90];
	[tilespmem:s0+$0x100] =	vst v3;
	v2 =	vmul.f32 $8.000000000e+00, v2  }
0x4f: {  	[tilespmem:s0+$0xFFFFFE00] =	vst v4;
	v3 =	vmul.f32 $8.000000000e+00, v7;
	v4 =	vld [tilespmem:s8+$0x110]  }
0x50: {  	v7 =	vld [tilespmem:s8+$0xFFFFFE10];
	v5 =	vmul.f32 $8.000000000e+00, v5;
	[tilespmem:s0+$0x190] =	vst v2  }
0x51: {  	[tilespmem:s0+$0xFFFFFE90] =	vst v3;
	v1 =	vmul.f32 $8.000000000e+00, v1;
	v2 =	vld [tilespmem:s8+$0x1A0]  }
0x52: {  	v3 =	vld [tilespmem:s8+$0xFFFFFEA0];
	[tilespmem:s0+$0xFFFFFF10] =	vst v5;
	v5 =	vmul.f32 $8.000000000e+00, v6  }
0x53: {  	v6 =	vld [tilespmem:s8+$0xFFFFFF20];
	[tilespmem:s0+$0xFFFFFF90] =	vst v1;
	v0 =	vmul.f32 $8.000000000e+00, v0  }
0x54: {  	v1 =	vld [tilespmem:s8+$0xFFFFFFA0];
	[tilespmem:s0+$0x10] =	vst v5;
	v4 =	vmul.f32 $8.000000000e+00, v4  }
0x55: {  	v5 =	vmul.f32 $8.000000000e+00, v7;
	v7 =	vld [tilespmem:s8+$0x20];
	[tilespmem:s0+$0x90] =	vst v0  }
0x56: {  	v0 =	vld [tilespmem:s8+$0xA0];
	[tilespmem:s0+$0x110] =	vst v4;
	v2 =	vmul.f32 $8.000000000e+00, v2  }
0x57: {  	[tilespmem:s0+$0xFFFFFE10] =	vst v5;
	v3 =	vmul.f32 $8.000000000e+00, v3;
	v4 =	vld [tilespmem:s8+$0x120]  }
0x58: {  	v5 =	vld [tilespmem:s8+$0xFFFFFE20];
	v6 =	vmul.f32 $8.000000000e+00, v6;
	[tilespmem:s0+$0x1A0] =	vst v2  }
0x59: {  	[tilespmem:s0+$0xFFFFFEA0] =	vst v3;
	v1 =	vmul.f32 $8.000000000e+00, v1;
	v3 =	vld [tilespmem:s8+$0x1B0]  }
0x5a: {  	v8 =	vld [tilespmem:s8+$0xFFFFFEB0];
	[tilespmem:s0+$0xFFFFFF20] =	vst v6;
	v2 =	vmul.f32 $8.000000000e+00, v7  }
0x5b: {  	v7 =	vld [tilespmem:s8+$0xFFFFFF30];
	[tilespmem:s0+$0xFFFFFFA0] =	vst v1;
	v1 =	vmul.f32 $8.000000000e+00, v0  }
.Ltmp0:
0x5c: {  	v0 =	vld [tilespmem:s8+$0xFFFFFFB0];
	[tilespmem:s0+$0x20] =	vst v2;
	v4 =	vmul.f32 $8.000000000e+00, v4;
	(pc) =	sbr.rel @p0 .LBB2_2-.Ltmp0, $4  }
0x5d: {  	v5 =	vmul.f32 $8.000000000e+00, v5;
	v2 =	vld [tilespmem:s8+$0x30];
	[tilespmem:s0+$0xA0] =	vst v1  }
0x5e: {  	v1 =	vld [tilespmem:s8+$0xB0];
	[tilespmem:s0+$0x120] =	vst v4;
	v9 =	vmul.f32 $8.000000000e+00, v3  }
0x5f: {  	[tilespmem:s0+$0xFFFFFE20] =	vst v5;
	v6 =	vmul.f32 $8.000000000e+00, v8;
	v3 =	vld [tilespmem:s8+$0x130]  }
0x60: {  	v4 =	vld [tilespmem:s8+$0xFFFFFE30];
	v5 =	vmul.f32 $8.000000000e+00, v7;
	[tilespmem:s0+$0x1B0] =	vst v9;
	s8 =	sadd.s32 $0x400, s8  }
0x61: {  	[tilespmem:s0+$0xFFFFFEB0] =	vst v6;
	v0 =	vmul.f32 $8.000000000e+00, v0  }
0x62: {  	[tilespmem:s0+$0xFFFFFF30] =	vst v5;
	v2 =	vmul.f32 $8.000000000e+00, v2  }
0x63: {  	[tilespmem:s0+$0xFFFFFFB0] =	vst v0;
	v0 =	vmul.f32 $8.000000000e+00, v1  }
0x64: {  	[tilespmem:s0+$0x30] =	vst v2;
	v1 =	vmul.f32 $8.000000000e+00, v3  }
0x65: {  	v2 =	vmul.f32 $8.000000000e+00, v4;
	[tilespmem:s0+$0xB0] =	vst v0  }
0x66: {  	[tilespmem:s0+$0x130] =	vst v1  }
0x67: {  	[tilespmem:s0+$0xFFFFFE30] =	vst v2  }
0x68: {  	[hbm4b:s10+s3] =	stream.linear.scatter [tilespmem:s25], [sflag:$0x5], $0x6400, $0x38;
	[tilespmem:$0x19200] =	vst v63  }
0x69: {  	_ =	swait.ge [sflag:s20], $0x100  }
0x6a: {  	[sflag:s20] =	ssyncset.done $0x0  }
0x6b: {  	[sflag:s20] =	ssyncadd.s32 $0xFFFFFF00  }
0x6c: {  	[tilespmem:s3], [sflag:$0x1] =	stream.indirect.gather [hbm4b:s4+s21], $0x80, s18, s21, $0xb8;
	[tilespmem:$0x19200] =	vst v63  }
0x6d: {  	_ =	swait.ge [sflag:s26], $0x6400  }
0x6e: {  	[sflag:s26] =	ssyncset.done $0x0  }
0x6f: {  	s8 =	simm.s32 $0x6600;
	s11 =	rddreg [dreg:$0x5];
	[sflag:s26] =	ssyncadd.s32 $0xFFFF9C00  }
0x70: {  	[tilespmem:s19], [sflag:$0x4] =	stream.strided.gather [hbm4b:s11+s16], $0x100, s17, s16, $0x38;
	[tilespmem:$0x19200] =	vst v63  }
0x71: {  	v0 =	vld [tilespmem:s8+$0x180]  }
0x72: {  	v1 =	vld [tilespmem:s8+$0xFFFFFE80]  }
0x73: {  	v2 =	vld [tilespmem:s8+$0xFFFFFF00]  }
0x74: {  	v3 =	vld [tilespmem:s8+$0xFFFFFF80]  }
0x75: {  	v4 =	vld [tilespmem:s8+$0x0]  }
0x76: {  	v5 =	vld [tilespmem:s8+$0x80];
	v0 =	vmul.f32 $8.000000000e+00, v0  }
0x77: {  	s0 =	simm.s32 $0x13000;
	v6 =	vld [tilespmem:s8+$0x100];
	v1 =	vmul.f32 $8.000000000e+00, v1  }
0x78: {  	v7 =	vld [tilespmem:s8+$0xFFFFFE00];
	v2 =	vmul.f32 $8.000000000e+00, v2;
	[tilespmem:s0+$0x180] =	vst v0  }
0x79: {  	[tilespmem:s0+$0xFFFFFE80] =	vst v1;
	v0 =	vmul.f32 $8.000000000e+00, v3;
	v1 =	vld [tilespmem:s8+$0x190]  }
0x7a: {  	[tilespmem:s0+$0xFFFFFF00] =	vst v2;
	v2 =	vmul.f32 $8.000000000e+00, v4;
	v3 =	vld [tilespmem:s8+$0xFFFFFE90]  }
0x7b: {  	v4 =	vld [tilespmem:s8+$0xFFFFFF10];
	[tilespmem:s0+$0xFFFFFF80] =	vst v0;
	v0 =	vmul.f32 $8.000000000e+00, v5  }
0x7c: {  	[tilespmem:s0+$0x0] =	vst v2;
	v2 =	vmul.f32 $8.000000000e+00, v6;
	v5 =	vld [tilespmem:s8+$0xFFFFFF90]  }
0x7d: {  	v6 =	vmul.f32 $8.000000000e+00, v7;
	v7 =	vld [tilespmem:s8+$0x10];
	[tilespmem:s0+$0x80] =	vst v0  }
0x7e: {  	[tilespmem:s0+$0x100] =	vst v2;
	v0 =	vld [tilespmem:s8+$0x90];
	v1 =	vmul.f32 $8.000000000e+00, v1  }
0x7f: {  	[tilespmem:s0+$0xFFFFFE00] =	vst v6;
	v2 =	vmul.f32 $8.000000000e+00, v3;
	v3 =	vld [tilespmem:s8+$0x110]  }
0x80: {  	v6 =	vld [tilespmem:s8+$0xFFFFFE10];
	v4 =	vmul.f32 $8.000000000e+00, v4;
	[tilespmem:s0+$0x190] =	vst v1  }
0x81: {  	[tilespmem:s0+$0xFFFFFE90] =	vst v2;
	v1 =	vmul.f32 $8.000000000e+00, v5;
	v2 =	vld [tilespmem:s8+$0x1A0]  }
0x82: {  	[tilespmem:s0+$0xFFFFFF10] =	vst v4;
	v4 =	vmul.f32 $8.000000000e+00, v7;
	v5 =	vld [tilespmem:s8+$0xFFFFFEA0]  }
0x83: {  	v7 =	vld [tilespmem:s8+$0xFFFFFF20];
	[tilespmem:s0+$0xFFFFFF90] =	vst v1;
	v0 =	vmul.f32 $8.000000000e+00, v0  }
0x84: {  	[tilespmem:s0+$0x10] =	vst v4;
	v1 =	vld [tilespmem:s8+$0xFFFFFFA0];
	v3 =	vmul.f32 $8.000000000e+00, v3  }
0x85: {  	v4 =	vmul.f32 $8.000000000e+00, v6;
	v6 =	vld [tilespmem:s8+$0x20];
	[tilespmem:s0+$0x90] =	vst v0  }
0x86: {  	v0 =	vld [tilespmem:s8+$0xA0];
	[tilespmem:s0+$0x110] =	vst v3;
	v2 =	vmul.f32 $8.000000000e+00, v2  }
0x87: {  	[tilespmem:s0+$0xFFFFFE10] =	vst v4;
	v3 =	vmul.f32 $8.000000000e+00, v5;
	v4 =	vld [tilespmem:s8+$0x120]  }
0x88: {  	v5 =	vld [tilespmem:s8+$0xFFFFFE20];
	v7 =	vmul.f32 $8.000000000e+00, v7;
	[tilespmem:s0+$0x1A0] =	vst v2  }
0x89: {  	[tilespmem:s0+$0xFFFFFEA0] =	vst v3;
	v1 =	vmul.f32 $8.000000000e+00, v1;
	v3 =	vld [tilespmem:s8+$0x1B0]  }
0x8a: {  	[tilespmem:s0+$0xFFFFFF20] =	vst v7;
	v2 =	vmul.f32 $8.000000000e+00, v6;
	v8 =	vld [tilespmem:s8+$0xFFFFFEB0]  }
0x8b: {  	v7 =	vld [tilespmem:s8+$0xFFFFFF30];
	[tilespmem:s0+$0xFFFFFFA0] =	vst v1;
	v1 =	vmul.f32 $8.000000000e+00, v0  }
0x8c: {  	[tilespmem:s0+$0x20] =	vst v2;
	v0 =	vld [tilespmem:s8+$0xFFFFFFB0];
	v4 =	vmul.f32 $8.000000000e+00, v4  }
0x8d: {  	v5 =	vmul.f32 $8.000000000e+00, v5;
	v2 =	vld [tilespmem:s8+$0x30];
	[tilespmem:s0+$0xA0] =	vst v1  }
0x8e: {  	v1 =	vld [tilespmem:s8+$0xB0];
	[tilespmem:s0+$0x120] =	vst v4;
	v9 =	vmul.f32 $8.000000000e+00, v3  }
0x8f: {  	[tilespmem:s0+$0xFFFFFE20] =	vst v5;
	v3 =	vld [tilespmem:s8+$0x130];
	v6 =	vmul.f32 $8.000000000e+00, v8  }
0x90: {  	s2 =	simm.s32 $0x0;
	v4 =	vld [tilespmem:s8+$0xFFFFFE30];
	v5 =	vmul.f32 $8.000000000e+00, v7;
	s8 =	simm.s32 $0x6A00;
	[tilespmem:s0+$0x1B0] =	vst v9  }
.LBB2_4:
0x91: {  	v7 =	vld [tilespmem:s8+$0x180];
	s2 =	sadd.s32 $0x8, s2;
	[tilespmem:s0+$0xFFFFFEB0] =	vst v6;
	v0 =	vmul.f32 $8.000000000e+00, v0  }
0x92: {  	v6 =	vld [tilespmem:s8+$0xFFFFFE80];
	p0 =	slt.u32 s2, $0xC0;
	[tilespmem:s0+$0xFFFFFF30] =	vst v5;
	v2 =	vmul.f32 $8.000000000e+00, v2  }
0x93: {  	v5 =	vld [tilespmem:s8+$0xFFFFFF00];
	[tilespmem:s0+$0xFFFFFFB0] =	vst v0;
	v0 =	vmul.f32 $8.000000000e+00, v1  }
0x94: {  	v1 =	vld [tilespmem:s8+$0xFFFFFF80];
	[tilespmem:s0+$0x30] =	vst v2;
	v2 =	vmul.f32 $8.000000000e+00, v3  }
0x95: {  	v3 =	vld [tilespmem:s8+$0x0];
	v4 =	vmul.f32 $8.000000000e+00, v4;
	[tilespmem:s0+$0xB0] =	vst v0  }
0x96: {  	v0 =	vld [tilespmem:s8+$0x80];
	v7 =	vmul.f32 $8.000000000e+00, v7;
	[tilespmem:s0+$0x130] =	vst v2  }
0x97: {  	v2 =	vmul.f32 $8.000000000e+00, v6;
	v6 =	vld [tilespmem:s8+$0x100];
	[tilespmem:s0+$0xFFFFFE30] =	vst v4;
	s0 =	sadd.s32 $0x400, s0  }
0x98: {  	v4 =	vld [tilespmem:s8+$0xFFFFFE00];
	v5 =	vmul.f32 $8.000000000e+00, v5;
	[tilespmem:s0+$0x180] =	vst v7  }
0x99: {  	[tilespmem:s0+$0xFFFFFE80] =	vst v2;
	v1 =	vmul.f32 $8.000000000e+00, v1;
	v2 =	vld [tilespmem:s8+$0x190]  }
0x9a: {  	v7 =	vld [tilespmem:s8+$0xFFFFFE90];
	[tilespmem:s0+$0xFFFFFF00] =	vst v5;
	v3 =	vmul.f32 $8.000000000e+00, v3  }
0x9b: {  	v5 =	vld [tilespmem:s8+$0xFFFFFF10];
	[tilespmem:s0+$0xFFFFFF80] =	vst v1;
	v0 =	vmul.f32 $8.000000000e+00, v0  }
0x9c: {  	v1 =	vld [tilespmem:s8+$0xFFFFFF90];
	[tilespmem:s0+$0x0] =	vst v3;
	v3 =	vmul.f32 $8.000000000e+00, v6  }
0x9d: {  	v4 =	vmul.f32 $8.000000000e+00, v4;
	v6 =	vld [tilespmem:s8+$0x10];
	[tilespmem:s0+$0x80] =	vst v0  }
0x9e: {  	v0 =	vld [tilespmem:s8+$0x90];
	[tilespmem:s0+$0x100] =	vst v3;
	v2 =	vmul.f32 $8.000000000e+00, v2  }
0x9f: {  	[tilespmem:s0+$0xFFFFFE00] =	vst v4;
	v3 =	vmul.f32 $8.000000000e+00, v7;
	v4 =	vld [tilespmem:s8+$0x110]  }
0xa0: {  	v7 =	vld [tilespmem:s8+$0xFFFFFE10];
	v5 =	vmul.f32 $8.000000000e+00, v5;
	[tilespmem:s0+$0x190] =	vst v2  }
0xa1: {  	[tilespmem:s0+$0xFFFFFE90] =	vst v3;
	v1 =	vmul.f32 $8.000000000e+00, v1;
	v2 =	vld [tilespmem:s8+$0x1A0]  }
0xa2: {  	v3 =	vld [tilespmem:s8+$0xFFFFFEA0];
	[tilespmem:s0+$0xFFFFFF10] =	vst v5;
	v5 =	vmul.f32 $8.000000000e+00, v6  }
0xa3: {  	v6 =	vld [tilespmem:s8+$0xFFFFFF20];
	[tilespmem:s0+$0xFFFFFF90] =	vst v1;
	v0 =	vmul.f32 $8.000000000e+00, v0  }
0xa4: {  	v1 =	vld [tilespmem:s8+$0xFFFFFFA0];
	[tilespmem:s0+$0x10] =	vst v5;
	v4 =	vmul.f32 $8.000000000e+00, v4  }
0xa5: {  	v5 =	vmul.f32 $8.000000000e+00, v7;
	v7 =	vld [tilespmem:s8+$0x20];
	[tilespmem:s0+$0x90] =	vst v0  }
0xa6: {  	v0 =	vld [tilespmem:s8+$0xA0];
	[tilespmem:s0+$0x110] =	vst v4;
	v2 =	vmul.f32 $8.000000000e+00, v2  }
0xa7: {  	[tilespmem:s0+$0xFFFFFE10] =	vst v5;
	v3 =	vmul.f32 $8.000000000e+00, v3;
	v4 =	vld [tilespmem:s8+$0x120]  }
0xa8: {  	v5 =	vld [tilespmem:s8+$0xFFFFFE20];
	v6 =	vmul.f32 $8.000000000e+00, v6;
	[tilespmem:s0+$0x1A0] =	vst v2  }
0xa9: {  	[tilespmem:s0+$0xFFFFFEA0] =	vst v3;
	v1 =	vmul.f32 $8.000000000e+00, v1;
	v3 =	vld [tilespmem:s8+$0x1B0]  }
0xaa: {  	v8 =	vld [tilespmem:s8+$0xFFFFFEB0];
	[tilespmem:s0+$0xFFFFFF20] =	vst v6;
	v2 =	vmul.f32 $8.000000000e+00, v7  }
0xab: {  	v7 =	vld [tilespmem:s8+$0xFFFFFF30];
	[tilespmem:s0+$0xFFFFFFA0] =	vst v1;
	v1 =	vmul.f32 $8.000000000e+00, v0  }
.Ltmp1:
0xac: {  	v0 =	vld [tilespmem:s8+$0xFFFFFFB0];
	[tilespmem:s0+$0x20] =	vst v2;
	v4 =	vmul.f32 $8.000000000e+00, v4;
	(pc) =	sbr.rel @p0 .LBB2_4-.Ltmp1, $4  }
0xad: {  	v5 =	vmul.f32 $8.000000000e+00, v5;
	v2 =	vld [tilespmem:s8+$0x30];
	[tilespmem:s0+$0xA0] =	vst v1  }
0xae: {  	v1 =	vld [tilespmem:s8+$0xB0];
	[tilespmem:s0+$0x120] =	vst v4;
	v9 =	vmul.f32 $8.000000000e+00, v3  }
0xaf: {  	[tilespmem:s0+$0xFFFFFE20] =	vst v5;
	v6 =	vmul.f32 $8.000000000e+00, v8;
	v3 =	vld [tilespmem:s8+$0x130]  }
0xb0: {  	v4 =	vld [tilespmem:s8+$0xFFFFFE30];
	v5 =	vmul.f32 $8.000000000e+00, v7;
	[tilespmem:s0+$0x1B0] =	vst v9;
	s8 =	sadd.s32 $0x400, s8  }
0xb1: {  	[tilespmem:s0+$0xFFFFFEB0] =	vst v6;
	v0 =	vmul.f32 $8.000000000e+00, v0  }
0xb2: {  	[tilespmem:s0+$0xFFFFFF30] =	vst v5;
	v2 =	vmul.f32 $8.000000000e+00, v2  }
0xb3: {  	[tilespmem:s0+$0xFFFFFFB0] =	vst v0;
	v61 =	vmul.f32 $8.000000000e+00, v1  }
0xb4: {  	[tilespmem:s0+$0x30] =	vst v2;
	v62 =	vmul.f32 $8.000000000e+00, v3  }
0xb5: {  	v63 =	vmul.f32 $8.000000000e+00, v4;
	[tilespmem:s0+$0xB0] =	vst v61  }
0xb6: {  	[tilespmem:s0+$0x130] =	vst v62  }
0xb7: {  	[tilespmem:s0+$0xFFFFFE30] =	vst v63  }
0xb8: {  	[hbm4b:s12+s3] =	stream.linear.scatter [tilespmem:s28], [sflag:$0x6], $0x6400, $0x38;
	[tilespmem:$0x19200] =	vst v63  }
0xb9: {  	_ =	swait.ge [sflag:s22], $0x100  }
0xba: {  	[sflag:s22] =	ssyncset.done $0x0  }
0xbb: {  	s0 =	simm.s32 $0x1;
	[sflag:s22] =	ssyncadd.s32 $0xFFFFFF00  }
0xbc: {  	[tilespmem:s23], [sflag:$0x2] =	stream.indirect.gather [hbm4b:s4+s21], $0x80, s19, s21, $0xb8;
	[tilespmem:$0x19200] =	vst v63  }
.LBB2_6:
0xbd: {  	s2 =	sshll.u32 s0, $0x1  }
0xbe: {  	s8 =	sadd.s32 $0x2, s2  }
0xbf: {  	s9 =	sadd.s32 s5, s8;
	s8 =	sshll.u32 s8, $0x4  }
0xc0: {  	_ =	swait.ge [sflag:s24], $0x6400;
	s9 =	sshll.u32 s9, $0x5;
	s8 =	sand.u32 $0x60, s8  }
0xc1: {  	[sflag:s24] =	ssyncset.done $0x0;
	s9 =	sand.u32 $0x3FF00, s9;
	s8 =	sadd.s32 s1, s8  }
0xc2: {  	[sflag:s24] =	ssyncadd.s32 $0xFFFF9C00;
	s8 =	sadd.s32 s9, s8  }
0xc3: {  	[tilespmem:s18], [sflag:$0x3] =	stream.strided.gather [hbm4b:s8+s16], $0x100, s17, s16, $0x38;
	[tilespmem:$0x19200] =	vst v63  }
0xc4: {  	_ =	swait.ge [sflag:s29], $0x6400  }
0xc5: {  	[sflag:s29] =	ssyncset.done $0x0  }
0xc6: {  	s11 =	simm.s32 $0x200;
	[sflag:s29] =	ssyncadd.s32 $0xFFFF9C00  }
0xc7: {  	v0 =	vld [tilespmem:s11+$0x180]  }
0xc8: {  	v1 =	vld [tilespmem:s11+$0xFFFFFE80]  }
0xc9: {  	v2 =	vld [tilespmem:s11+$0xFFFFFF00]  }
0xca: {  	v3 =	vld [tilespmem:s11+$0xFFFFFF80]  }
0xcb: {  	v4 =	vld [tilespmem:s11+$0x0]  }
0xcc: {  	v5 =	vld [tilespmem:s11+$0x80];
	v0 =	vmul.f32 $8.000000000e+00, v0  }
0xcd: {  	s8 =	simm.s32 $0xCC00;
	v6 =	vld [tilespmem:s11+$0x100];
	v1 =	vmul.f32 $8.000000000e+00, v1  }
0xce: {  	v7 =	vld [tilespmem:s11+$0xFFFFFE00];
	v2 =	vmul.f32 $8.000000000e+00, v2;
	[tilespmem:s8+$0x180] =	vst v0  }
0xcf: {  	[tilespmem:s8+$0xFFFFFE80] =	vst v1;
	v0 =	vmul.f32 $8.000000000e+00, v3;
	v1 =	vld [tilespmem:s11+$0x190]  }
0xd0: {  	[tilespmem:s8+$0xFFFFFF00] =	vst v2;
	v2 =	vmul.f32 $8.000000000e+00, v4;
	v3 =	vld [tilespmem:s11+$0xFFFFFE90]  }
0xd1: {  	v4 =	vld [tilespmem:s11+$0xFFFFFF10];
	[tilespmem:s8+$0xFFFFFF80] =	vst v0;
	v0 =	vmul.f32 $8.000000000e+00, v5  }
0xd2: {  	[tilespmem:s8+$0x0] =	vst v2;
	v2 =	vmul.f32 $8.000000000e+00, v6;
	v5 =	vld [tilespmem:s11+$0xFFFFFF90]  }
0xd3: {  	v6 =	vmul.f32 $8.000000000e+00, v7;
	v7 =	vld [tilespmem:s11+$0x10];
	[tilespmem:s8+$0x80] =	vst v0  }
0xd4: {  	[tilespmem:s8+$0x100] =	vst v2;
	v0 =	vld [tilespmem:s11+$0x90];
	v1 =	vmul.f32 $8.000000000e+00, v1  }
0xd5: {  	[tilespmem:s8+$0xFFFFFE00] =	vst v6;
	v2 =	vmul.f32 $8.000000000e+00, v3;
	v3 =	vld [tilespmem:s11+$0x110]  }
0xd6: {  	v6 =	vld [tilespmem:s11+$0xFFFFFE10];
	v4 =	vmul.f32 $8.000000000e+00, v4;
	[tilespmem:s8+$0x190] =	vst v1  }
0xd7: {  	[tilespmem:s8+$0xFFFFFE90] =	vst v2;
	v1 =	vmul.f32 $8.000000000e+00, v5;
	v2 =	vld [tilespmem:s11+$0x1A0]  }
0xd8: {  	[tilespmem:s8+$0xFFFFFF10] =	vst v4;
	v4 =	vmul.f32 $8.000000000e+00, v7;
	v5 =	vld [tilespmem:s11+$0xFFFFFEA0]  }
0xd9: {  	v7 =	vld [tilespmem:s11+$0xFFFFFF20];
	[tilespmem:s8+$0xFFFFFF90] =	vst v1;
	v0 =	vmul.f32 $8.000000000e+00, v0  }
0xda: {  	[tilespmem:s8+$0x10] =	vst v4;
	v1 =	vld [tilespmem:s11+$0xFFFFFFA0];
	v3 =	vmul.f32 $8.000000000e+00, v3  }
0xdb: {  	v4 =	vmul.f32 $8.000000000e+00, v6;
	v6 =	vld [tilespmem:s11+$0x20];
	[tilespmem:s8+$0x90] =	vst v0  }
0xdc: {  	v0 =	vld [tilespmem:s11+$0xA0];
	[tilespmem:s8+$0x110] =	vst v3;
	v2 =	vmul.f32 $8.000000000e+00, v2  }
0xdd: {  	[tilespmem:s8+$0xFFFFFE10] =	vst v4;
	v3 =	vmul.f32 $8.000000000e+00, v5;
	v4 =	vld [tilespmem:s11+$0x120]  }
0xde: {  	v5 =	vld [tilespmem:s11+$0xFFFFFE20];
	v7 =	vmul.f32 $8.000000000e+00, v7;
	[tilespmem:s8+$0x1A0] =	vst v2  }
0xdf: {  	[tilespmem:s8+$0xFFFFFEA0] =	vst v3;
	v1 =	vmul.f32 $8.000000000e+00, v1;
	v3 =	vld [tilespmem:s11+$0x1B0]  }
0xe0: {  	[tilespmem:s8+$0xFFFFFF20] =	vst v7;
	v2 =	vmul.f32 $8.000000000e+00, v6;
	v8 =	vld [tilespmem:s11+$0xFFFFFEB0]  }
0xe1: {  	v7 =	vld [tilespmem:s11+$0xFFFFFF30];
	[tilespmem:s8+$0xFFFFFFA0] =	vst v1;
	v1 =	vmul.f32 $8.000000000e+00, v0  }
0xe2: {  	[tilespmem:s8+$0x20] =	vst v2;
	v0 =	vld [tilespmem:s11+$0xFFFFFFB0];
	v4 =	vmul.f32 $8.000000000e+00, v4  }
0xe3: {  	v5 =	vmul.f32 $8.000000000e+00, v5;
	v2 =	vld [tilespmem:s11+$0x30];
	[tilespmem:s8+$0xA0] =	vst v1  }
0xe4: {  	v1 =	vld [tilespmem:s11+$0xB0];
	[tilespmem:s8+$0x120] =	vst v4;
	v9 =	vmul.f32 $8.000000000e+00, v3  }
0xe5: {  	[tilespmem:s8+$0xFFFFFE20] =	vst v5;
	v3 =	vld [tilespmem:s11+$0x130];
	v6 =	vmul.f32 $8.000000000e+00, v8  }
0xe6: {  	s9 =	simm.s32 $0x0;
	v4 =	vld [tilespmem:s11+$0xFFFFFE30];
	v5 =	vmul.f32 $8.000000000e+00, v7;
	s11 =	simm.s32 $0x600;
	[tilespmem:s8+$0x1B0] =	vst v9  }
.LBB2_7:
0xe7: {  	v7 =	vld [tilespmem:s11+$0x180];
	s9 =	sadd.s32 $0x8, s9;
	[tilespmem:s8+$0xFFFFFEB0] =	vst v6;
	v0 =	vmul.f32 $8.000000000e+00, v0  }
0xe8: {  	v6 =	vld [tilespmem:s11+$0xFFFFFE80];
	p0 =	slt.u32 s9, $0xC0;
	[tilespmem:s8+$0xFFFFFF30] =	vst v5;
	v2 =	vmul.f32 $8.000000000e+00, v2  }
0xe9: {  	v5 =	vld [tilespmem:s11+$0xFFFFFF00];
	[tilespmem:s8+$0xFFFFFFB0] =	vst v0;
	v0 =	vmul.f32 $8.000000000e+00, v1  }
0xea: {  	v1 =	vld [tilespmem:s11+$0xFFFFFF80];
	[tilespmem:s8+$0x30] =	vst v2;
	v2 =	vmul.f32 $8.000000000e+00, v3  }
0xeb: {  	v3 =	vld [tilespmem:s11+$0x0];
	v4 =	vmul.f32 $8.000000000e+00, v4;
	[tilespmem:s8+$0xB0] =	vst v0  }
0xec: {  	v0 =	vld [tilespmem:s11+$0x80];
	v7 =	vmul.f32 $8.000000000e+00, v7;
	[tilespmem:s8+$0x130] =	vst v2  }
0xed: {  	v2 =	vmul.f32 $8.000000000e+00, v6;
	v6 =	vld [tilespmem:s11+$0x100];
	[tilespmem:s8+$0xFFFFFE30] =	vst v4;
	s8 =	sadd.s32 $0x400, s8  }
0xee: {  	v4 =	vld [tilespmem:s11+$0xFFFFFE00];
	v5 =	vmul.f32 $8.000000000e+00, v5;
	[tilespmem:s8+$0x180] =	vst v7  }
0xef: {  	[tilespmem:s8+$0xFFFFFE80] =	vst v2;
	v1 =	vmul.f32 $8.000000000e+00, v1;
	v2 =	vld [tilespmem:s11+$0x190]  }
0xf0: {  	v7 =	vld [tilespmem:s11+$0xFFFFFE90];
	[tilespmem:s8+$0xFFFFFF00] =	vst v5;
	v3 =	vmul.f32 $8.000000000e+00, v3  }
0xf1: {  	v5 =	vld [tilespmem:s11+$0xFFFFFF10];
	[tilespmem:s8+$0xFFFFFF80] =	vst v1;
	v0 =	vmul.f32 $8.000000000e+00, v0  }
0xf2: {  	v1 =	vld [tilespmem:s11+$0xFFFFFF90];
	[tilespmem:s8+$0x0] =	vst v3;
	v3 =	vmul.f32 $8.000000000e+00, v6  }
0xf3: {  	v4 =	vmul.f32 $8.000000000e+00, v4;
	v6 =	vld [tilespmem:s11+$0x10];
	[tilespmem:s8+$0x80] =	vst v0  }
0xf4: {  	v0 =	vld [tilespmem:s11+$0x90];
	[tilespmem:s8+$0x100] =	vst v3;
	v2 =	vmul.f32 $8.000000000e+00, v2  }
0xf5: {  	[tilespmem:s8+$0xFFFFFE00] =	vst v4;
	v3 =	vmul.f32 $8.000000000e+00, v7;
	v4 =	vld [tilespmem:s11+$0x110]  }
0xf6: {  	v7 =	vld [tilespmem:s11+$0xFFFFFE10];
	v5 =	vmul.f32 $8.000000000e+00, v5;
	[tilespmem:s8+$0x190] =	vst v2  }
0xf7: {  	[tilespmem:s8+$0xFFFFFE90] =	vst v3;
	v1 =	vmul.f32 $8.000000000e+00, v1;
	v2 =	vld [tilespmem:s11+$0x1A0]  }
0xf8: {  	v3 =	vld [tilespmem:s11+$0xFFFFFEA0];
	[tilespmem:s8+$0xFFFFFF10] =	vst v5;
	v5 =	vmul.f32 $8.000000000e+00, v6  }
0xf9: {  	v6 =	vld [tilespmem:s11+$0xFFFFFF20];
	[tilespmem:s8+$0xFFFFFF90] =	vst v1;
	v0 =	vmul.f32 $8.000000000e+00, v0  }
0xfa: {  	v1 =	vld [tilespmem:s11+$0xFFFFFFA0];
	[tilespmem:s8+$0x10] =	vst v5;
	v4 =	vmul.f32 $8.000000000e+00, v4  }
0xfb: {  	v5 =	vmul.f32 $8.000000000e+00, v7;
	v7 =	vld [tilespmem:s11+$0x20];
	[tilespmem:s8+$0x90] =	vst v0  }
0xfc: {  	v0 =	vld [tilespmem:s11+$0xA0];
	[tilespmem:s8+$0x110] =	vst v4;
	v2 =	vmul.f32 $8.000000000e+00, v2  }
0xfd: {  	[tilespmem:s8+$0xFFFFFE10] =	vst v5;
	v3 =	vmul.f32 $8.000000000e+00, v3;
	v4 =	vld [tilespmem:s11+$0x120]  }
0xfe: {  	v5 =	vld [tilespmem:s11+$0xFFFFFE20];
	v6 =	vmul.f32 $8.000000000e+00, v6;
	[tilespmem:s8+$0x1A0] =	vst v2  }
0xff: {  	[tilespmem:s8+$0xFFFFFEA0] =	vst v3;
	v1 =	vmul.f32 $8.000000000e+00, v1;
	v3 =	vld [tilespmem:s11+$0x1B0]  }
0x100: {  	v8 =	vld [tilespmem:s11+$0xFFFFFEB0];
	[tilespmem:s8+$0xFFFFFF20] =	vst v6;
	v2 =	vmul.f32 $8.000000000e+00, v7  }
0x101: {  	v7 =	vld [tilespmem:s11+$0xFFFFFF30];
	[tilespmem:s8+$0xFFFFFFA0] =	vst v1;
	v1 =	vmul.f32 $8.000000000e+00, v0  }
.Ltmp2:
0x102: {  	v0 =	vld [tilespmem:s11+$0xFFFFFFB0];
	[tilespmem:s8+$0x20] =	vst v2;
	v4 =	vmul.f32 $8.000000000e+00, v4;
	(pc) =	sbr.rel @p0 .LBB2_7-.Ltmp2, $4  }
0x103: {  	v5 =	vmul.f32 $8.000000000e+00, v5;
	v2 =	vld [tilespmem:s11+$0x30];
	[tilespmem:s8+$0xA0] =	vst v1  }
0x104: {  	v1 =	vld [tilespmem:s11+$0xB0];
	[tilespmem:s8+$0x120] =	vst v4;
	v9 =	vmul.f32 $8.000000000e+00, v3  }
0x105: {  	[tilespmem:s8+$0xFFFFFE20] =	vst v5;
	v6 =	vmul.f32 $8.000000000e+00, v8;
	v3 =	vld [tilespmem:s11+$0x130]  }
0x106: {  	v4 =	vld [tilespmem:s11+$0xFFFFFE30];
	v5 =	vmul.f32 $8.000000000e+00, v7;
	[tilespmem:s8+$0x1B0] =	vst v9;
	s11 =	sadd.s32 $0x400, s11  }
0x107: {  	[tilespmem:s8+$0xFFFFFEB0] =	vst v6;
	v0 =	vmul.f32 $8.000000000e+00, v0  }
0x108: {  	[tilespmem:s8+$0xFFFFFF30] =	vst v5;
	v2 =	vmul.f32 $8.000000000e+00, v2  }
0x109: {  	[tilespmem:s8+$0xFFFFFFB0] =	vst v0;
	v0 =	vmul.f32 $8.000000000e+00, v1  }
0x10a: {  	s9 =	sadd.s32 s5, s2;
	[tilespmem:s8+$0x30] =	vst v2;
	v1 =	vmul.f32 $8.000000000e+00, v3  }
0x10b: {  	s9 =	smul.u32 $0xC80, s9;
	v2 =	vmul.f32 $8.000000000e+00, v4;
	[tilespmem:s8+$0xB0] =	vst v0  }
0x10c: {  	[tilespmem:s8+$0x130] =	vst v1  }
0x10d: {  	s11 =	sadd.s32 s7, s9;
	[tilespmem:s8+$0xFFFFFE30] =	vst v2  }
0x10e: {  	[hbm4b:s11+s3] =	stream.linear.scatter [tilespmem:s25], [sflag:$0x5], $0x6400, $0x38;
	[tilespmem:$0x19200] =	vst v63  }
0x10f: {  	_ =	swait.ge [sflag:s20], $0x100  }
0x110: {  	s9 =	sadd.s32 $0x3, s2;
	[sflag:s20] =	ssyncset.done $0x0  }
0x111: {  	s8 =	sshll.u32 s9, $0x4;
	s11 =	sadd.s32 s5, s9;
	[sflag:s20] =	ssyncadd.s32 $0xFFFFFF00  }
0x112: {  	[tilespmem:s3], [sflag:$0x1] =	stream.indirect.gather [hbm4b:s4+s21], $0x80, s18, s21, $0xb8;
	[tilespmem:$0x19200] =	vst v63  }
0x113: {  	s8 =	sand.u32 $0x70, s8;
	s9 =	sshll.u32 s11, $0x5;
	_ =	swait.ge [sflag:s26], $0x6400  }
0x114: {  	s8 =	sadd.s32 s1, s8;
	s9 =	sand.u32 $0x3FF00, s9;
	[sflag:s26] =	ssyncset.done $0x0  }
0x115: {  	s8 =	sadd.s32 s9, s8;
	[sflag:s26] =	ssyncadd.s32 $0xFFFF9C00  }
0x116: {  	[tilespmem:s19], [sflag:$0x4] =	stream.strided.gather [hbm4b:s8+s16], $0x100, s17, s16, $0x38;
	[tilespmem:$0x19200] =	vst v63  }
0x117: {  	_ =	swait.ge [sflag:s30], $0x6400  }
0x118: {  	[sflag:s30] =	ssyncset.done $0x0  }
0x119: {  	s11 =	simm.s32 $0x6600;
	[sflag:s30] =	ssyncadd.s32 $0xFFFF9C00  }
0x11a: {  	v0 =	vld [tilespmem:s11+$0x180]  }
0x11b: {  	v1 =	vld [tilespmem:s11+$0xFFFFFE80]  }
0x11c: {  	v2 =	vld [tilespmem:s11+$0xFFFFFF00]  }
0x11d: {  	v3 =	vld [tilespmem:s11+$0xFFFFFF80]  }
0x11e: {  	v4 =	vld [tilespmem:s11+$0x0]  }
0x11f: {  	v5 =	vld [tilespmem:s11+$0x80];
	v0 =	vmul.f32 $8.000000000e+00, v0  }
0x120: {  	s8 =	simm.s32 $0x13000;
	v6 =	vld [tilespmem:s11+$0x100];
	v1 =	vmul.f32 $8.000000000e+00, v1  }
0x121: {  	v7 =	vld [tilespmem:s11+$0xFFFFFE00];
	v2 =	vmul.f32 $8.000000000e+00, v2;
	[tilespmem:s8+$0x180] =	vst v0  }
0x122: {  	[tilespmem:s8+$0xFFFFFE80] =	vst v1;
	v0 =	vmul.f32 $8.000000000e+00, v3;
	v1 =	vld [tilespmem:s11+$0x190]  }
0x123: {  	[tilespmem:s8+$0xFFFFFF00] =	vst v2;
	v2 =	vmul.f32 $8.000000000e+00, v4;
	v3 =	vld [tilespmem:s11+$0xFFFFFE90]  }
0x124: {  	v4 =	vld [tilespmem:s11+$0xFFFFFF10];
	[tilespmem:s8+$0xFFFFFF80] =	vst v0;
	v0 =	vmul.f32 $8.000000000e+00, v5  }
0x125: {  	[tilespmem:s8+$0x0] =	vst v2;
	v2 =	vmul.f32 $8.000000000e+00, v6;
	v5 =	vld [tilespmem:s11+$0xFFFFFF90]  }
0x126: {  	v6 =	vmul.f32 $8.000000000e+00, v7;
	v7 =	vld [tilespmem:s11+$0x10];
	[tilespmem:s8+$0x80] =	vst v0  }
0x127: {  	[tilespmem:s8+$0x100] =	vst v2;
	v0 =	vld [tilespmem:s11+$0x90];
	v1 =	vmul.f32 $8.000000000e+00, v1  }
0x128: {  	[tilespmem:s8+$0xFFFFFE00] =	vst v6;
	v2 =	vmul.f32 $8.000000000e+00, v3;
	v3 =	vld [tilespmem:s11+$0x110]  }
0x129: {  	v6 =	vld [tilespmem:s11+$0xFFFFFE10];
	v4 =	vmul.f32 $8.000000000e+00, v4;
	[tilespmem:s8+$0x190] =	vst v1  }
0x12a: {  	[tilespmem:s8+$0xFFFFFE90] =	vst v2;
	v1 =	vmul.f32 $8.000000000e+00, v5;
	v2 =	vld [tilespmem:s11+$0x1A0]  }
0x12b: {  	[tilespmem:s8+$0xFFFFFF10] =	vst v4;
	v4 =	vmul.f32 $8.000000000e+00, v7;
	v5 =	vld [tilespmem:s11+$0xFFFFFEA0]  }
0x12c: {  	v7 =	vld [tilespmem:s11+$0xFFFFFF20];
	[tilespmem:s8+$0xFFFFFF90] =	vst v1;
	v0 =	vmul.f32 $8.000000000e+00, v0  }
0x12d: {  	[tilespmem:s8+$0x10] =	vst v4;
	v1 =	vld [tilespmem:s11+$0xFFFFFFA0];
	v3 =	vmul.f32 $8.000000000e+00, v3  }
0x12e: {  	v4 =	vmul.f32 $8.000000000e+00, v6;
	v6 =	vld [tilespmem:s11+$0x20];
	[tilespmem:s8+$0x90] =	vst v0  }
0x12f: {  	v0 =	vld [tilespmem:s11+$0xA0];
	[tilespmem:s8+$0x110] =	vst v3;
	v2 =	vmul.f32 $8.000000000e+00, v2  }
0x130: {  	[tilespmem:s8+$0xFFFFFE10] =	vst v4;
	v3 =	vmul.f32 $8.000000000e+00, v5;
	v4 =	vld [tilespmem:s11+$0x120]  }
0x131: {  	v5 =	vld [tilespmem:s11+$0xFFFFFE20];
	v7 =	vmul.f32 $8.000000000e+00, v7;
	[tilespmem:s8+$0x1A0] =	vst v2  }
0x132: {  	[tilespmem:s8+$0xFFFFFEA0] =	vst v3;
	v1 =	vmul.f32 $8.000000000e+00, v1;
	v3 =	vld [tilespmem:s11+$0x1B0]  }
0x133: {  	[tilespmem:s8+$0xFFFFFF20] =	vst v7;
	v2 =	vmul.f32 $8.000000000e+00, v6;
	v8 =	vld [tilespmem:s11+$0xFFFFFEB0]  }
0x134: {  	v7 =	vld [tilespmem:s11+$0xFFFFFF30];
	[tilespmem:s8+$0xFFFFFFA0] =	vst v1;
	v1 =	vmul.f32 $8.000000000e+00, v0  }
0x135: {  	[tilespmem:s8+$0x20] =	vst v2;
	v0 =	vld [tilespmem:s11+$0xFFFFFFB0];
	v4 =	vmul.f32 $8.000000000e+00, v4  }
0x136: {  	v5 =	vmul.f32 $8.000000000e+00, v5;
	v2 =	vld [tilespmem:s11+$0x30];
	[tilespmem:s8+$0xA0] =	vst v1  }
0x137: {  	v1 =	vld [tilespmem:s11+$0xB0];
	[tilespmem:s8+$0x120] =	vst v4;
	v9 =	vmul.f32 $8.000000000e+00, v3  }
0x138: {  	[tilespmem:s8+$0xFFFFFE20] =	vst v5;
	v3 =	vld [tilespmem:s11+$0x130];
	v6 =	vmul.f32 $8.000000000e+00, v8  }
0x139: {  	s9 =	simm.s32 $0x0;
	v4 =	vld [tilespmem:s11+$0xFFFFFE30];
	v5 =	vmul.f32 $8.000000000e+00, v7;
	s11 =	simm.s32 $0x6A00;
	[tilespmem:s8+$0x1B0] =	vst v9  }
.LBB2_9:
0x13a: {  	v7 =	vld [tilespmem:s11+$0x180];
	s9 =	sadd.s32 $0x8, s9;
	[tilespmem:s8+$0xFFFFFEB0] =	vst v6;
	v0 =	vmul.f32 $8.000000000e+00, v0  }
0x13b: {  	v6 =	vld [tilespmem:s11+$0xFFFFFE80];
	p0 =	slt.u32 s9, $0xC0;
	[tilespmem:s8+$0xFFFFFF30] =	vst v5;
	v2 =	vmul.f32 $8.000000000e+00, v2  }
0x13c: {  	v5 =	vld [tilespmem:s11+$0xFFFFFF00];
	[tilespmem:s8+$0xFFFFFFB0] =	vst v0;
	v0 =	vmul.f32 $8.000000000e+00, v1  }
0x13d: {  	v1 =	vld [tilespmem:s11+$0xFFFFFF80];
	[tilespmem:s8+$0x30] =	vst v2;
	v2 =	vmul.f32 $8.000000000e+00, v3  }
0x13e: {  	v3 =	vld [tilespmem:s11+$0x0];
	v4 =	vmul.f32 $8.000000000e+00, v4;
	[tilespmem:s8+$0xB0] =	vst v0  }
0x13f: {  	v0 =	vld [tilespmem:s11+$0x80];
	v7 =	vmul.f32 $8.000000000e+00, v7;
	[tilespmem:s8+$0x130] =	vst v2  }
0x140: {  	v2 =	vmul.f32 $8.000000000e+00, v6;
	v6 =	vld [tilespmem:s11+$0x100];
	[tilespmem:s8+$0xFFFFFE30] =	vst v4;
	s8 =	sadd.s32 $0x400, s8  }
0x141: {  	v4 =	vld [tilespmem:s11+$0xFFFFFE00];
	v5 =	vmul.f32 $8.000000000e+00, v5;
	[tilespmem:s8+$0x180] =	vst v7  }
0x142: {  	[tilespmem:s8+$0xFFFFFE80] =	vst v2;
	v1 =	vmul.f32 $8.000000000e+00, v1;
	v2 =	vld [tilespmem:s11+$0x190]  }
0x143: {  	v7 =	vld [tilespmem:s11+$0xFFFFFE90];
	[tilespmem:s8+$0xFFFFFF00] =	vst v5;
	v3 =	vmul.f32 $8.000000000e+00, v3  }
0x144: {  	v5 =	vld [tilespmem:s11+$0xFFFFFF10];
	[tilespmem:s8+$0xFFFFFF80] =	vst v1;
	v0 =	vmul.f32 $8.000000000e+00, v0  }
0x145: {  	v1 =	vld [tilespmem:s11+$0xFFFFFF90];
	[tilespmem:s8+$0x0] =	vst v3;
	v3 =	vmul.f32 $8.000000000e+00, v6  }
0x146: {  	v4 =	vmul.f32 $8.000000000e+00, v4;
	v6 =	vld [tilespmem:s11+$0x10];
	[tilespmem:s8+$0x80] =	vst v0  }
0x147: {  	v0 =	vld [tilespmem:s11+$0x90];
	[tilespmem:s8+$0x100] =	vst v3;
	v2 =	vmul.f32 $8.000000000e+00, v2  }
0x148: {  	[tilespmem:s8+$0xFFFFFE00] =	vst v4;
	v3 =	vmul.f32 $8.000000000e+00, v7;
	v4 =	vld [tilespmem:s11+$0x110]  }
0x149: {  	v7 =	vld [tilespmem:s11+$0xFFFFFE10];
	v5 =	vmul.f32 $8.000000000e+00, v5;
	[tilespmem:s8+$0x190] =	vst v2  }
0x14a: {  	[tilespmem:s8+$0xFFFFFE90] =	vst v3;
	v1 =	vmul.f32 $8.000000000e+00, v1;
	v2 =	vld [tilespmem:s11+$0x1A0]  }
0x14b: {  	v3 =	vld [tilespmem:s11+$0xFFFFFEA0];
	[tilespmem:s8+$0xFFFFFF10] =	vst v5;
	v5 =	vmul.f32 $8.000000000e+00, v6  }
0x14c: {  	v6 =	vld [tilespmem:s11+$0xFFFFFF20];
	[tilespmem:s8+$0xFFFFFF90] =	vst v1;
	v0 =	vmul.f32 $8.000000000e+00, v0  }
0x14d: {  	v1 =	vld [tilespmem:s11+$0xFFFFFFA0];
	[tilespmem:s8+$0x10] =	vst v5;
	v4 =	vmul.f32 $8.000000000e+00, v4  }
0x14e: {  	v5 =	vmul.f32 $8.000000000e+00, v7;
	v7 =	vld [tilespmem:s11+$0x20];
	[tilespmem:s8+$0x90] =	vst v0  }
0x14f: {  	v0 =	vld [tilespmem:s11+$0xA0];
	[tilespmem:s8+$0x110] =	vst v4;
	v2 =	vmul.f32 $8.000000000e+00, v2  }
0x150: {  	[tilespmem:s8+$0xFFFFFE10] =	vst v5;
	v3 =	vmul.f32 $8.000000000e+00, v3;
	v4 =	vld [tilespmem:s11+$0x120]  }
0x151: {  	v5 =	vld [tilespmem:s11+$0xFFFFFE20];
	v6 =	vmul.f32 $8.000000000e+00, v6;
	[tilespmem:s8+$0x1A0] =	vst v2  }
0x152: {  	[tilespmem:s8+$0xFFFFFEA0] =	vst v3;
	v1 =	vmul.f32 $8.000000000e+00, v1;
	v3 =	vld [tilespmem:s11+$0x1B0]  }
0x153: {  	v8 =	vld [tilespmem:s11+$0xFFFFFEB0];
	[tilespmem:s8+$0xFFFFFF20] =	vst v6;
	v2 =	vmul.f32 $8.000000000e+00, v7  }
0x154: {  	v7 =	vld [tilespmem:s11+$0xFFFFFF30];
	[tilespmem:s8+$0xFFFFFFA0] =	vst v1;
	v1 =	vmul.f32 $8.000000000e+00, v0  }
.Ltmp3:
0x155: {  	v0 =	vld [tilespmem:s11+$0xFFFFFFB0];
	[tilespmem:s8+$0x20] =	vst v2;
	v4 =	vmul.f32 $8.000000000e+00, v4;
	(pc) =	sbr.rel @p0 .LBB2_9-.Ltmp3, $4  }
0x156: {  	v5 =	vmul.f32 $8.000000000e+00, v5;
	v2 =	vld [tilespmem:s11+$0x30];
	[tilespmem:s8+$0xA0] =	vst v1  }
0x157: {  	v1 =	vld [tilespmem:s11+$0xB0];
	[tilespmem:s8+$0x120] =	vst v4;
	v9 =	vmul.f32 $8.000000000e+00, v3  }
0x158: {  	[tilespmem:s8+$0xFFFFFE20] =	vst v5;
	v6 =	vmul.f32 $8.000000000e+00, v8;
	v3 =	vld [tilespmem:s11+$0x130]  }
0x159: {  	v4 =	vld [tilespmem:s11+$0xFFFFFE30];
	v5 =	vmul.f32 $8.000000000e+00, v7;
	[tilespmem:s8+$0x1B0] =	vst v9;
	s11 =	sadd.s32 $0x400, s11  }
0x15a: {  	[tilespmem:s8+$0xFFFFFEB0] =	vst v6;
	v0 =	vmul.f32 $8.000000000e+00, v0  }
0x15b: {  	[tilespmem:s8+$0xFFFFFF30] =	vst v5;
	v2 =	vmul.f32 $8.000000000e+00, v2  }
0x15c: {  	s2 =	sadd.s32 s2, s5;
	[tilespmem:s8+$0xFFFFFFB0] =	vst v0;
	v61 =	vmul.f32 $8.000000000e+00, v1  }
0x15d: {  	s2 =	smul.u32 $0xC80, s2;
	[tilespmem:s8+$0x30] =	vst v2;
	v62 =	vmul.f32 $8.000000000e+00, v3  }
0x15e: {  	v63 =	vmul.f32 $8.000000000e+00, v4;
	[tilespmem:s8+$0xB0] =	vst v61  }
0x15f: {  	s0 =	sadd.s32 $0x1, s0;
	s2 =	sadd.s32 s7, s2;
	[tilespmem:s8+$0x130] =	vst v62  }
0x160: {  	p0 =	sne.s32 s0, $0x3F;
	s2 =	sadd.s32 $0xC80, s2;
	[tilespmem:s8+$0xFFFFFE30] =	vst v63  }
0x161: {  	[hbm4b:s2+s3] =	stream.linear.scatter [tilespmem:s28], [sflag:$0x6], $0x6400, $0x38;
	[tilespmem:$0x19200] =	vst v63  }
.Ltmp4:
0x162: {  	_ = 	snop;
	(pc) =	sbr.rel @p0 .LBB2_6-.Ltmp4, $4  }
0x163: {  	_ =	swait.ge [sflag:s22], $0x100  }
0x164: {  	[sflag:s22] =	ssyncset.done $0x0  }
0x165: {  	[sflag:s22] =	ssyncadd.s32 $0xFFFFFF00  }
0x166: {  	[tilespmem:s23], [sflag:$0x2] =	stream.indirect.gather [hbm4b:s4+s21], $0x80, s19, s21, $0xb8;
	[tilespmem:$0x19200] =	vst v63  }
0x167: {  	_ =	swait.ge [sflag:s24], $0x6400  }
0x168: {  	[sflag:s24] =	ssyncset.done $0x0  }
0x169: {  	[sflag:s24] =	ssyncadd.s32 $0xFFFF9C00  }
0x16a: {  	_ =	swait.ge [sflag:s29], $0x6400  }
0x16b: {  	[sflag:s29] =	ssyncset.done $0x0  }
0x16c: {  	s8 =	simm.s32 $0x200;
	[sflag:s29] =	ssyncadd.s32 $0xFFFF9C00  }
0x16d: {  	v0 =	vld [tilespmem:s8+$0x180]  }
0x16e: {  	v1 =	vld [tilespmem:s8+$0xFFFFFE80]  }
0x16f: {  	v2 =	vld [tilespmem:s8+$0xFFFFFF00]  }
0x170: {  	v3 =	vld [tilespmem:s8+$0xFFFFFF80]  }
0x171: {  	v4 =	vld [tilespmem:s8+$0x0]  }
0x172: {  	v5 =	vld [tilespmem:s8+$0x80];
	v0 =	vmul.f32 $8.000000000e+00, v0  }
0x173: {  	s0 =	simm.s32 $0xCC00;
	v6 =	vld [tilespmem:s8+$0x100];
	v1 =	vmul.f32 $8.000000000e+00, v1  }
0x174: {  	v7 =	vld [tilespmem:s8+$0xFFFFFE00];
	v2 =	vmul.f32 $8.000000000e+00, v2;
	[tilespmem:s0+$0x180] =	vst v0  }
0x175: {  	[tilespmem:s0+$0xFFFFFE80] =	vst v1;
	v0 =	vmul.f32 $8.000000000e+00, v3;
	v1 =	vld [tilespmem:s8+$0x190]  }
0x176: {  	[tilespmem:s0+$0xFFFFFF00] =	vst v2;
	v2 =	vmul.f32 $8.000000000e+00, v4;
	v3 =	vld [tilespmem:s8+$0xFFFFFE90]  }
0x177: {  	v4 =	vld [tilespmem:s8+$0xFFFFFF10];
	[tilespmem:s0+$0xFFFFFF80] =	vst v0;
	v0 =	vmul.f32 $8.000000000e+00, v5  }
0x178: {  	[tilespmem:s0+$0x0] =	vst v2;
	v2 =	vmul.f32 $8.000000000e+00, v6;
	v5 =	vld [tilespmem:s8+$0xFFFFFF90]  }
0x179: {  	v6 =	vmul.f32 $8.000000000e+00, v7;
	v7 =	vld [tilespmem:s8+$0x10];
	[tilespmem:s0+$0x80] =	vst v0  }
0x17a: {  	[tilespmem:s0+$0x100] =	vst v2;
	v0 =	vld [tilespmem:s8+$0x90];
	v1 =	vmul.f32 $8.000000000e+00, v1  }
0x17b: {  	[tilespmem:s0+$0xFFFFFE00] =	vst v6;
	v2 =	vmul.f32 $8.000000000e+00, v3;
	v3 =	vld [tilespmem:s8+$0x110]  }
0x17c: {  	v6 =	vld [tilespmem:s8+$0xFFFFFE10];
	v4 =	vmul.f32 $8.000000000e+00, v4;
	[tilespmem:s0+$0x190] =	vst v1  }
0x17d: {  	[tilespmem:s0+$0xFFFFFE90] =	vst v2;
	v1 =	vmul.f32 $8.000000000e+00, v5;
	v2 =	vld [tilespmem:s8+$0x1A0]  }
0x17e: {  	[tilespmem:s0+$0xFFFFFF10] =	vst v4;
	v4 =	vmul.f32 $8.000000000e+00, v7;
	v5 =	vld [tilespmem:s8+$0xFFFFFEA0]  }
0x17f: {  	v7 =	vld [tilespmem:s8+$0xFFFFFF20];
	[tilespmem:s0+$0xFFFFFF90] =	vst v1;
	v0 =	vmul.f32 $8.000000000e+00, v0  }
0x180: {  	[tilespmem:s0+$0x10] =	vst v4;
	v1 =	vld [tilespmem:s8+$0xFFFFFFA0];
	v3 =	vmul.f32 $8.000000000e+00, v3  }
0x181: {  	v4 =	vmul.f32 $8.000000000e+00, v6;
	v6 =	vld [tilespmem:s8+$0x20];
	[tilespmem:s0+$0x90] =	vst v0  }
0x182: {  	v0 =	vld [tilespmem:s8+$0xA0];
	[tilespmem:s0+$0x110] =	vst v3;
	v2 =	vmul.f32 $8.000000000e+00, v2  }
0x183: {  	[tilespmem:s0+$0xFFFFFE10] =	vst v4;
	v3 =	vmul.f32 $8.000000000e+00, v5;
	v4 =	vld [tilespmem:s8+$0x120]  }
0x184: {  	v5 =	vld [tilespmem:s8+$0xFFFFFE20];
	v7 =	vmul.f32 $8.000000000e+00, v7;
	[tilespmem:s0+$0x1A0] =	vst v2  }
0x185: {  	[tilespmem:s0+$0xFFFFFEA0] =	vst v3;
	v1 =	vmul.f32 $8.000000000e+00, v1;
	v3 =	vld [tilespmem:s8+$0x1B0]  }
0x186: {  	[tilespmem:s0+$0xFFFFFF20] =	vst v7;
	v2 =	vmul.f32 $8.000000000e+00, v6;
	v8 =	vld [tilespmem:s8+$0xFFFFFEB0]  }
0x187: {  	v7 =	vld [tilespmem:s8+$0xFFFFFF30];
	[tilespmem:s0+$0xFFFFFFA0] =	vst v1;
	v1 =	vmul.f32 $8.000000000e+00, v0  }
0x188: {  	[tilespmem:s0+$0x20] =	vst v2;
	v0 =	vld [tilespmem:s8+$0xFFFFFFB0];
	v4 =	vmul.f32 $8.000000000e+00, v4  }
0x189: {  	v5 =	vmul.f32 $8.000000000e+00, v5;
	v2 =	vld [tilespmem:s8+$0x30];
	[tilespmem:s0+$0xA0] =	vst v1  }
0x18a: {  	v1 =	vld [tilespmem:s8+$0xB0];
	[tilespmem:s0+$0x120] =	vst v4;
	v9 =	vmul.f32 $8.000000000e+00, v3  }
0x18b: {  	[tilespmem:s0+$0xFFFFFE20] =	vst v5;
	v3 =	vld [tilespmem:s8+$0x130];
	v6 =	vmul.f32 $8.000000000e+00, v8  }
0x18c: {  	s2 =	simm.s32 $0x0;
	v4 =	vld [tilespmem:s8+$0xFFFFFE30];
	v5 =	vmul.f32 $8.000000000e+00, v7;
	s8 =	simm.s32 $0x600;
	[tilespmem:s0+$0x1B0] =	vst v9  }
.LBB2_12:
0x18d: {  	v7 =	vld [tilespmem:s8+$0x180];
	s2 =	sadd.s32 $0x8, s2;
	[tilespmem:s0+$0xFFFFFEB0] =	vst v6;
	v0 =	vmul.f32 $8.000000000e+00, v0  }
0x18e: {  	v6 =	vld [tilespmem:s8+$0xFFFFFE80];
	p0 =	slt.u32 s2, $0xC0;
	[tilespmem:s0+$0xFFFFFF30] =	vst v5;
	v2 =	vmul.f32 $8.000000000e+00, v2  }
0x18f: {  	v5 =	vld [tilespmem:s8+$0xFFFFFF00];
	[tilespmem:s0+$0xFFFFFFB0] =	vst v0;
	v0 =	vmul.f32 $8.000000000e+00, v1  }
0x190: {  	v1 =	vld [tilespmem:s8+$0xFFFFFF80];
	[tilespmem:s0+$0x30] =	vst v2;
	v2 =	vmul.f32 $8.000000000e+00, v3  }
0x191: {  	v3 =	vld [tilespmem:s8+$0x0];
	v4 =	vmul.f32 $8.000000000e+00, v4;
	[tilespmem:s0+$0xB0] =	vst v0  }
0x192: {  	v0 =	vld [tilespmem:s8+$0x80];
	v7 =	vmul.f32 $8.000000000e+00, v7;
	[tilespmem:s0+$0x130] =	vst v2  }
0x193: {  	v2 =	vmul.f32 $8.000000000e+00, v6;
	v6 =	vld [tilespmem:s8+$0x100];
	[tilespmem:s0+$0xFFFFFE30] =	vst v4;
	s0 =	sadd.s32 $0x400, s0  }
0x194: {  	v4 =	vld [tilespmem:s8+$0xFFFFFE00];
	v5 =	vmul.f32 $8.000000000e+00, v5;
	[tilespmem:s0+$0x180] =	vst v7  }
0x195: {  	[tilespmem:s0+$0xFFFFFE80] =	vst v2;
	v1 =	vmul.f32 $8.000000000e+00, v1;
	v2 =	vld [tilespmem:s8+$0x190]  }
0x196: {  	v7 =	vld [tilespmem:s8+$0xFFFFFE90];
	[tilespmem:s0+$0xFFFFFF00] =	vst v5;
	v3 =	vmul.f32 $8.000000000e+00, v3  }
0x197: {  	v5 =	vld [tilespmem:s8+$0xFFFFFF10];
	[tilespmem:s0+$0xFFFFFF80] =	vst v1;
	v0 =	vmul.f32 $8.000000000e+00, v0  }
0x198: {  	v1 =	vld [tilespmem:s8+$0xFFFFFF90];
	[tilespmem:s0+$0x0] =	vst v3;
	v3 =	vmul.f32 $8.000000000e+00, v6  }
0x199: {  	v4 =	vmul.f32 $8.000000000e+00, v4;
	v6 =	vld [tilespmem:s8+$0x10];
	[tilespmem:s0+$0x80] =	vst v0  }
0x19a: {  	v0 =	vld [tilespmem:s8+$0x90];
	[tilespmem:s0+$0x100] =	vst v3;
	v2 =	vmul.f32 $8.000000000e+00, v2  }
0x19b: {  	[tilespmem:s0+$0xFFFFFE00] =	vst v4;
	v3 =	vmul.f32 $8.000000000e+00, v7;
	v4 =	vld [tilespmem:s8+$0x110]  }
0x19c: {  	v7 =	vld [tilespmem:s8+$0xFFFFFE10];
	v5 =	vmul.f32 $8.000000000e+00, v5;
	[tilespmem:s0+$0x190] =	vst v2  }
0x19d: {  	[tilespmem:s0+$0xFFFFFE90] =	vst v3;
	v1 =	vmul.f32 $8.000000000e+00, v1;
	v2 =	vld [tilespmem:s8+$0x1A0]  }
0x19e: {  	v3 =	vld [tilespmem:s8+$0xFFFFFEA0];
	[tilespmem:s0+$0xFFFFFF10] =	vst v5;
	v5 =	vmul.f32 $8.000000000e+00, v6  }
0x19f: {  	v6 =	vld [tilespmem:s8+$0xFFFFFF20];
	[tilespmem:s0+$0xFFFFFF90] =	vst v1;
	v0 =	vmul.f32 $8.000000000e+00, v0  }
0x1a0: {  	v1 =	vld [tilespmem:s8+$0xFFFFFFA0];
	[tilespmem:s0+$0x10] =	vst v5;
	v4 =	vmul.f32 $8.000000000e+00, v4  }
0x1a1: {  	v5 =	vmul.f32 $8.000000000e+00, v7;
	v7 =	vld [tilespmem:s8+$0x20];
	[tilespmem:s0+$0x90] =	vst v0  }
0x1a2: {  	v0 =	vld [tilespmem:s8+$0xA0];
	[tilespmem:s0+$0x110] =	vst v4;
	v2 =	vmul.f32 $8.000000000e+00, v2  }
0x1a3: {  	[tilespmem:s0+$0xFFFFFE10] =	vst v5;
	v3 =	vmul.f32 $8.000000000e+00, v3;
	v4 =	vld [tilespmem:s8+$0x120]  }
0x1a4: {  	v5 =	vld [tilespmem:s8+$0xFFFFFE20];
	v6 =	vmul.f32 $8.000000000e+00, v6;
	[tilespmem:s0+$0x1A0] =	vst v2  }
0x1a5: {  	[tilespmem:s0+$0xFFFFFEA0] =	vst v3;
	v1 =	vmul.f32 $8.000000000e+00, v1;
	v3 =	vld [tilespmem:s8+$0x1B0]  }
0x1a6: {  	v8 =	vld [tilespmem:s8+$0xFFFFFEB0];
	[tilespmem:s0+$0xFFFFFF20] =	vst v6;
	v2 =	vmul.f32 $8.000000000e+00, v7  }
0x1a7: {  	v7 =	vld [tilespmem:s8+$0xFFFFFF30];
	[tilespmem:s0+$0xFFFFFFA0] =	vst v1;
	v1 =	vmul.f32 $8.000000000e+00, v0  }
.Ltmp5:
0x1a8: {  	v0 =	vld [tilespmem:s8+$0xFFFFFFB0];
	[tilespmem:s0+$0x20] =	vst v2;
	v4 =	vmul.f32 $8.000000000e+00, v4;
	(pc) =	sbr.rel @p0 .LBB2_12-.Ltmp5, $4  }
0x1a9: {  	v5 =	vmul.f32 $8.000000000e+00, v5;
	v2 =	vld [tilespmem:s8+$0x30];
	[tilespmem:s0+$0xA0] =	vst v1  }
0x1aa: {  	v1 =	vld [tilespmem:s8+$0xB0];
	[tilespmem:s0+$0x120] =	vst v4;
	v9 =	vmul.f32 $8.000000000e+00, v3  }
0x1ab: {  	[tilespmem:s0+$0xFFFFFE20] =	vst v5;
	v6 =	vmul.f32 $8.000000000e+00, v8;
	v3 =	vld [tilespmem:s8+$0x130]  }
0x1ac: {  	v4 =	vld [tilespmem:s8+$0xFFFFFE30];
	v5 =	vmul.f32 $8.000000000e+00, v7;
	[tilespmem:s0+$0x1B0] =	vst v9;
	s8 =	sadd.s32 $0x400, s8  }
0x1ad: {  	[tilespmem:s0+$0xFFFFFEB0] =	vst v6;
	v0 =	vmul.f32 $8.000000000e+00, v0  }
0x1ae: {  	[tilespmem:s0+$0xFFFFFF30] =	vst v5;
	v2 =	vmul.f32 $8.000000000e+00, v2  }
0x1af: {  	[tilespmem:s0+$0xFFFFFFB0] =	vst v0;
	v0 =	vmul.f32 $8.000000000e+00, v1  }
0x1b0: {  	[tilespmem:s0+$0x30] =	vst v2;
	v1 =	vmul.f32 $8.000000000e+00, v3  }
0x1b1: {  	v2 =	vmul.f32 $8.000000000e+00, v4;
	[tilespmem:s0+$0xB0] =	vst v0  }
0x1b2: {  	[tilespmem:s0+$0x130] =	vst v1  }
0x1b3: {  	[tilespmem:s0+$0xFFFFFE30] =	vst v2  }
0x1b4: {  	[hbm4b:s13+s3] =	stream.linear.scatter [tilespmem:s25], [sflag:$0x5], $0x6400, $0x38;
	[tilespmem:$0x19200] =	vst v63  }
0x1b5: {  	_ =	swait.ge [sflag:s26], $0x6400  }
0x1b6: {  	[sflag:s26] =	ssyncset.done $0x0  }
0x1b7: {  	[sflag:s26] =	ssyncadd.s32 $0xFFFF9C00  }
0x1b8: {  	_ =	swait.ge [sflag:s30], $0x6400  }
0x1b9: {  	[sflag:s30] =	ssyncset.done $0x0  }
0x1ba: {  	s8 =	simm.s32 $0x6600;
	[sflag:s30] =	ssyncadd.s32 $0xFFFF9C00  }
0x1bb: {  	v0 =	vld [tilespmem:s8+$0x180]  }
0x1bc: {  	v1 =	vld [tilespmem:s8+$0xFFFFFE80]  }
0x1bd: {  	v2 =	vld [tilespmem:s8+$0xFFFFFF00]  }
0x1be: {  	v3 =	vld [tilespmem:s8+$0xFFFFFF80]  }
0x1bf: {  	v4 =	vld [tilespmem:s8+$0x0]  }
0x1c0: {  	v5 =	vld [tilespmem:s8+$0x80];
	v0 =	vmul.f32 $8.000000000e+00, v0  }
0x1c1: {  	s0 =	simm.s32 $0x13000;
	v6 =	vld [tilespmem:s8+$0x100];
	v1 =	vmul.f32 $8.000000000e+00, v1  }
0x1c2: {  	v7 =	vld [tilespmem:s8+$0xFFFFFE00];
	v2 =	vmul.f32 $8.000000000e+00, v2;
	[tilespmem:s0+$0x180] =	vst v0  }
0x1c3: {  	[tilespmem:s0+$0xFFFFFE80] =	vst v1;
	v0 =	vmul.f32 $8.000000000e+00, v3;
	v1 =	vld [tilespmem:s8+$0x190]  }
0x1c4: {  	[tilespmem:s0+$0xFFFFFF00] =	vst v2;
	v2 =	vmul.f32 $8.000000000e+00, v4;
	v3 =	vld [tilespmem:s8+$0xFFFFFE90]  }
0x1c5: {  	v4 =	vld [tilespmem:s8+$0xFFFFFF10];
	[tilespmem:s0+$0xFFFFFF80] =	vst v0;
	v0 =	vmul.f32 $8.000000000e+00, v5  }
0x1c6: {  	[tilespmem:s0+$0x0] =	vst v2;
	v2 =	vmul.f32 $8.000000000e+00, v6;
	v5 =	vld [tilespmem:s8+$0xFFFFFF90]  }
0x1c7: {  	v6 =	vmul.f32 $8.000000000e+00, v7;
	v7 =	vld [tilespmem:s8+$0x10];
	[tilespmem:s0+$0x80] =	vst v0  }
0x1c8: {  	[tilespmem:s0+$0x100] =	vst v2;
	v0 =	vld [tilespmem:s8+$0x90];
	v1 =	vmul.f32 $8.000000000e+00, v1  }
0x1c9: {  	[tilespmem:s0+$0xFFFFFE00] =	vst v6;
	v2 =	vmul.f32 $8.000000000e+00, v3;
	v3 =	vld [tilespmem:s8+$0x110]  }
0x1ca: {  	v6 =	vld [tilespmem:s8+$0xFFFFFE10];
	v4 =	vmul.f32 $8.000000000e+00, v4;
	[tilespmem:s0+$0x190] =	vst v1  }
0x1cb: {  	[tilespmem:s0+$0xFFFFFE90] =	vst v2;
	v1 =	vmul.f32 $8.000000000e+00, v5;
	v2 =	vld [tilespmem:s8+$0x1A0]  }
0x1cc: {  	[tilespmem:s0+$0xFFFFFF10] =	vst v4;
	v4 =	vmul.f32 $8.000000000e+00, v7;
	v5 =	vld [tilespmem:s8+$0xFFFFFEA0]  }
0x1cd: {  	v7 =	vld [tilespmem:s8+$0xFFFFFF20];
	[tilespmem:s0+$0xFFFFFF90] =	vst v1;
	v0 =	vmul.f32 $8.000000000e+00, v0  }
0x1ce: {  	[tilespmem:s0+$0x10] =	vst v4;
	v1 =	vld [tilespmem:s8+$0xFFFFFFA0];
	v3 =	vmul.f32 $8.000000000e+00, v3  }
0x1cf: {  	v4 =	vmul.f32 $8.000000000e+00, v6;
	v6 =	vld [tilespmem:s8+$0x20];
	[tilespmem:s0+$0x90] =	vst v0  }
0x1d0: {  	v0 =	vld [tilespmem:s8+$0xA0];
	[tilespmem:s0+$0x110] =	vst v3;
	v2 =	vmul.f32 $8.000000000e+00, v2  }
0x1d1: {  	[tilespmem:s0+$0xFFFFFE10] =	vst v4;
	v3 =	vmul.f32 $8.000000000e+00, v5;
	v4 =	vld [tilespmem:s8+$0x120]  }
0x1d2: {  	v5 =	vld [tilespmem:s8+$0xFFFFFE20];
	v7 =	vmul.f32 $8.000000000e+00, v7;
	[tilespmem:s0+$0x1A0] =	vst v2  }
0x1d3: {  	[tilespmem:s0+$0xFFFFFEA0] =	vst v3;
	v1 =	vmul.f32 $8.000000000e+00, v1;
	v3 =	vld [tilespmem:s8+$0x1B0]  }
0x1d4: {  	[tilespmem:s0+$0xFFFFFF20] =	vst v7;
	v2 =	vmul.f32 $8.000000000e+00, v6;
	v8 =	vld [tilespmem:s8+$0xFFFFFEB0]  }
0x1d5: {  	v7 =	vld [tilespmem:s8+$0xFFFFFF30];
	[tilespmem:s0+$0xFFFFFFA0] =	vst v1;
	v1 =	vmul.f32 $8.000000000e+00, v0  }
0x1d6: {  	[tilespmem:s0+$0x20] =	vst v2;
	v0 =	vld [tilespmem:s8+$0xFFFFFFB0];
	v4 =	vmul.f32 $8.000000000e+00, v4  }
0x1d7: {  	v5 =	vmul.f32 $8.000000000e+00, v5;
	v2 =	vld [tilespmem:s8+$0x30];
	[tilespmem:s0+$0xA0] =	vst v1  }
0x1d8: {  	v1 =	vld [tilespmem:s8+$0xB0];
	[tilespmem:s0+$0x120] =	vst v4;
	v9 =	vmul.f32 $8.000000000e+00, v3  }
0x1d9: {  	[tilespmem:s0+$0xFFFFFE20] =	vst v5;
	v3 =	vld [tilespmem:s8+$0x130];
	v6 =	vmul.f32 $8.000000000e+00, v8  }
0x1da: {  	s2 =	simm.s32 $0x0;
	v4 =	vld [tilespmem:s8+$0xFFFFFE30];
	v5 =	vmul.f32 $8.000000000e+00, v7;
	s8 =	simm.s32 $0x6A00;
	[tilespmem:s0+$0x1B0] =	vst v9  }
.LBB2_14:
0x1db: {  	v7 =	vld [tilespmem:s8+$0x180];
	s2 =	sadd.s32 $0x8, s2;
	[tilespmem:s0+$0xFFFFFEB0] =	vst v6;
	v0 =	vmul.f32 $8.000000000e+00, v0  }
0x1dc: {  	v6 =	vld [tilespmem:s8+$0xFFFFFE80];
	p0 =	slt.u32 s2, $0xC0;
	[tilespmem:s0+$0xFFFFFF30] =	vst v5;
	v2 =	vmul.f32 $8.000000000e+00, v2  }
0x1dd: {  	v5 =	vld [tilespmem:s8+$0xFFFFFF00];
	[tilespmem:s0+$0xFFFFFFB0] =	vst v0;
	v0 =	vmul.f32 $8.000000000e+00, v1  }
0x1de: {  	v1 =	vld [tilespmem:s8+$0xFFFFFF80];
	[tilespmem:s0+$0x30] =	vst v2;
	v2 =	vmul.f32 $8.000000000e+00, v3  }
0x1df: {  	v3 =	vld [tilespmem:s8+$0x0];
	v4 =	vmul.f32 $8.000000000e+00, v4;
	[tilespmem:s0+$0xB0] =	vst v0  }
0x1e0: {  	v0 =	vld [tilespmem:s8+$0x80];
	v7 =	vmul.f32 $8.000000000e+00, v7;
	[tilespmem:s0+$0x130] =	vst v2  }
0x1e1: {  	v2 =	vmul.f32 $8.000000000e+00, v6;
	v6 =	vld [tilespmem:s8+$0x100];
	[tilespmem:s0+$0xFFFFFE30] =	vst v4;
	s0 =	sadd.s32 $0x400, s0  }
0x1e2: {  	v4 =	vld [tilespmem:s8+$0xFFFFFE00];
	v5 =	vmul.f32 $8.000000000e+00, v5;
	[tilespmem:s0+$0x180] =	vst v7  }
0x1e3: {  	[tilespmem:s0+$0xFFFFFE80] =	vst v2;
	v1 =	vmul.f32 $8.000000000e+00, v1;
	v2 =	vld [tilespmem:s8+$0x190]  }
0x1e4: {  	v7 =	vld [tilespmem:s8+$0xFFFFFE90];
	[tilespmem:s0+$0xFFFFFF00] =	vst v5;
	v3 =	vmul.f32 $8.000000000e+00, v3  }
0x1e5: {  	v5 =	vld [tilespmem:s8+$0xFFFFFF10];
	[tilespmem:s0+$0xFFFFFF80] =	vst v1;
	v0 =	vmul.f32 $8.000000000e+00, v0  }
0x1e6: {  	v1 =	vld [tilespmem:s8+$0xFFFFFF90];
	[tilespmem:s0+$0x0] =	vst v3;
	v3 =	vmul.f32 $8.000000000e+00, v6  }
0x1e7: {  	v4 =	vmul.f32 $8.000000000e+00, v4;
	v6 =	vld [tilespmem:s8+$0x10];
	[tilespmem:s0+$0x80] =	vst v0  }
0x1e8: {  	v0 =	vld [tilespmem:s8+$0x90];
	[tilespmem:s0+$0x100] =	vst v3;
	v2 =	vmul.f32 $8.000000000e+00, v2  }
0x1e9: {  	[tilespmem:s0+$0xFFFFFE00] =	vst v4;
	v3 =	vmul.f32 $8.000000000e+00, v7;
	v4 =	vld [tilespmem:s8+$0x110]  }
0x1ea: {  	v7 =	vld [tilespmem:s8+$0xFFFFFE10];
	v5 =	vmul.f32 $8.000000000e+00, v5;
	[tilespmem:s0+$0x190] =	vst v2  }
0x1eb: {  	[tilespmem:s0+$0xFFFFFE90] =	vst v3;
	v1 =	vmul.f32 $8.000000000e+00, v1;
	v2 =	vld [tilespmem:s8+$0x1A0]  }
0x1ec: {  	v3 =	vld [tilespmem:s8+$0xFFFFFEA0];
	[tilespmem:s0+$0xFFFFFF10] =	vst v5;
	v5 =	vmul.f32 $8.000000000e+00, v6  }
0x1ed: {  	v6 =	vld [tilespmem:s8+$0xFFFFFF20];
	[tilespmem:s0+$0xFFFFFF90] =	vst v1;
	v0 =	vmul.f32 $8.000000000e+00, v0  }
0x1ee: {  	v1 =	vld [tilespmem:s8+$0xFFFFFFA0];
	[tilespmem:s0+$0x10] =	vst v5;
	v4 =	vmul.f32 $8.000000000e+00, v4  }
0x1ef: {  	v5 =	vmul.f32 $8.000000000e+00, v7;
	v7 =	vld [tilespmem:s8+$0x20];
	[tilespmem:s0+$0x90] =	vst v0  }
0x1f0: {  	v0 =	vld [tilespmem:s8+$0xA0];
	[tilespmem:s0+$0x110] =	vst v4;
	v2 =	vmul.f32 $8.000000000e+00, v2  }
0x1f1: {  	[tilespmem:s0+$0xFFFFFE10] =	vst v5;
	v3 =	vmul.f32 $8.000000000e+00, v3;
	v4 =	vld [tilespmem:s8+$0x120]  }
0x1f2: {  	v5 =	vld [tilespmem:s8+$0xFFFFFE20];
	v6 =	vmul.f32 $8.000000000e+00, v6;
	[tilespmem:s0+$0x1A0] =	vst v2  }
0x1f3: {  	[tilespmem:s0+$0xFFFFFEA0] =	vst v3;
	v1 =	vmul.f32 $8.000000000e+00, v1;
	v3 =	vld [tilespmem:s8+$0x1B0]  }
0x1f4: {  	v8 =	vld [tilespmem:s8+$0xFFFFFEB0];
	[tilespmem:s0+$0xFFFFFF20] =	vst v6;
	v2 =	vmul.f32 $8.000000000e+00, v7  }
0x1f5: {  	v7 =	vld [tilespmem:s8+$0xFFFFFF30];
	[tilespmem:s0+$0xFFFFFFA0] =	vst v1;
	v1 =	vmul.f32 $8.000000000e+00, v0  }
.Ltmp6:
0x1f6: {  	v0 =	vld [tilespmem:s8+$0xFFFFFFB0];
	[tilespmem:s0+$0x20] =	vst v2;
	v4 =	vmul.f32 $8.000000000e+00, v4;
	(pc) =	sbr.rel @p0 .LBB2_14-.Ltmp6, $4  }
0x1f7: {  	v5 =	vmul.f32 $8.000000000e+00, v5;
	v2 =	vld [tilespmem:s8+$0x30];
	[tilespmem:s0+$0xA0] =	vst v1  }
0x1f8: {  	v1 =	vld [tilespmem:s8+$0xB0];
	[tilespmem:s0+$0x120] =	vst v4;
	v9 =	vmul.f32 $8.000000000e+00, v3  }
0x1f9: {  	[tilespmem:s0+$0xFFFFFE20] =	vst v5;
	v6 =	vmul.f32 $8.000000000e+00, v8;
	v3 =	vld [tilespmem:s8+$0x130]  }
0x1fa: {  	v4 =	vld [tilespmem:s8+$0xFFFFFE30];
	v5 =	vmul.f32 $8.000000000e+00, v7;
	[tilespmem:s0+$0x1B0] =	vst v9;
	s8 =	sadd.s32 $0x400, s8  }
0x1fb: {  	[tilespmem:s0+$0xFFFFFEB0] =	vst v6;
	v0 =	vmul.f32 $8.000000000e+00, v0  }
0x1fc: {  	[tilespmem:s0+$0xFFFFFF30] =	vst v5;
	v2 =	vmul.f32 $8.000000000e+00, v2  }
0x1fd: {  	[tilespmem:s0+$0xFFFFFFB0] =	vst v0;
	v61 =	vmul.f32 $8.000000000e+00, v1  }
0x1fe: {  	[tilespmem:s0+$0x30] =	vst v2;
	v62 =	vmul.f32 $8.000000000e+00, v3  }
0x1ff: {  	v63 =	vmul.f32 $8.000000000e+00, v4;
	[tilespmem:s0+$0xB0] =	vst v61  }
0x200: {  	[tilespmem:s0+$0x130] =	vst v62  }
0x201: {  	s31 =	sadd.s32 $0x1, s31;
	[tilespmem:s0+$0xFFFFFE30] =	vst v63  }
0x202: {  	[hbm4b:s14+s3] =	stream.linear.scatter [tilespmem:s28], [sflag:$0x6], $0x6400, $0x38;
	[tilespmem:$0x19200] =	vst v63  }
0x203: {  	p0 =	sne.s32 s31, s15;
	_ =	swait.ge [sflag:s29], $0x6400  }
.Ltmp7:
0x204: {  	[sflag:s29] =	ssyncset.done $0x0;
	(pc) =	sbr.rel @p0 .LBB2_1-.Ltmp7, $4  }
0x205: {  	[sflag:s29] =	ssyncadd.s32 $0xFFFF9C00  }
0x206: {  	_ =	swait.ge [sflag:s30], $0x6400  }
0x207: {  	[sflag:s30] =	ssyncset.done $0x0  }
0x208: {  	[sflag:s30] =	ssyncadd.s32 $0xFFFF9C00  }
0x209: {  	_ =	sfence.sel $0x180000  }
0x20a: {  	[bflag:$0x0] =	sbarrier.arrive $0xFFFF  }
0x20b: {  	_ =	strace $0x90000047  }
0x20c: {  	s0 =	stileid.u32;
	[bflag:$0x2] =	sbarrier.arrive $0xFFFF  }
0x20d: {  	p0 =	sne.s32 s0, $0x0;
	s0 =	rddreg [dreg:$0x2]  }
0x20e: {  	s0 =	sadd.s32 @!p0 $0x100000, s0  }
0x20f: {  	[sflag:s0] =	ssyncadd.tile.s32 @!p0 $0x1;
	_ =	shalt  }
.Lfunc_end2:
_tile_overlayer_lowered:
.L_overlay_start_2:
0x210: {  	(tag) =	ssettag $0x2  }
0x211: {  	s0 =	rddreg [dreg:$0x0];
	s2 =	stileid.u32  }
0x212: {  	s1 =	rddreg [dreg:$0x1];
	p0 =	sne.s32 s2, $0x0  }
0x213: {  	s3 =	rddreg [dreg:$0x2];
	[bflag:$0x3] =	sbarrier.arrive $0xFFFF;
	s2 =	simm.s32 @!p0 $0x1C07  }
0x214: {  	[timem:s3], [sflag:s2] =	dma.local @!p0 [hbm:s0], s1  }
0x215: {  	s0 =	simm.s32 @!p0 $0x7  }
0x216: {  	_ =	swait.ge @!p0 [sflag:s0], s1  }
0x217: {  	s1 =	ssub.s32 @!p0 $0x0, s1;
	[sflag:s0] =	ssyncset.done @!p0 $0x0  }
0x218: {  	[sflag:s0] =	ssyncadd.s32 @!p0 s1  }
0x219: {  	[bflag:$0x3] =	sbarrier.arrive $0xFFFF  }
0x21a: {  	_ =	shalt  }

</sc_bundles>
